<compile_context>
chip_gen: v7x
topology: tpu7x:2x2x1
jax: 0.10.2.dev20260603
libtpu: 0.0.44.dev20260713+nightly
codegen_flags: <defaults>
</compile_context>

<pallas_src>
import jax
import jax.numpy as jnp
from jax import lax
from jax.experimental import pallas as pl
from jax.experimental.pallas import tpu as pltpu
from jax.experimental.pallas import tpu_sc as plsc

NC, NS = 2, 16
NW = NC * NS
CHUNK = 128
POS_LEN = 200
NBUF = 7
PRE = 4
LOOK = 3
SWAIT = NBUF - PRE


def _sc_body(idx_hbm, tok_hbm, pos_hbm, out_hbm,
             idx_v, pos_sh, bufs, isem, psem, gsem, ssem):
    wid = lax.axis_index("s") * NC + lax.axis_index("c")
    n_rows = idx_hbm.shape[0] // NW
    n_chunks = n_rows // CHUNK
    base = wid * n_chunks

    idx_cp = pltpu.async_copy(idx_hbm.at[pl.ds(wid * n_rows, n_rows)], idx_v, isem)

    @pl.when(lax.axis_index("s") == 0)
    def _():
        pltpu.sync_copy(pos_hbm, pos_sh.at[pl.ds(0, POS_LEN)])
        pltpu.sync_copy(pos_hbm.at[pl.ds(0, CHUNK)],
                        pos_sh.at[pl.ds(POS_LEN, CHUNK)])

    plsc.subcore_barrier()

    def pos_slice(c):
        pos_base = pl.multiple_of(lax.rem(c * CHUNK, POS_LEN), 8)
        return pos_sh.at[pl.ds(pos_base, CHUNK)]

    def start_prefill(c):
        b = lax.rem(c, NBUF)
        pltpu.async_copy(pos_slice(c), bufs.at[b], psem.at[b])

    def wait_prefill(c):
        b = lax.rem(c, NBUF)
        pltpu.make_async_copy(pos_slice(c), bufs.at[b], psem.at[b]).wait()

    HALF = CHUNK // 2

    def half_idx(c, h):
        return idx_v.at[pl.ds(c * CHUNK + h * HALF, HALF)]

    def half_buf(c, h):
        b = lax.rem(c, NBUF)
        return bufs.at[b, pl.ds(h * HALF, HALF)]

    def start_gather(c):
        b = lax.rem(c, NBUF)
        for h in range(2):
            pltpu.async_copy(tok_hbm.at[half_idx(c, h)], half_buf(c, h),
                             gsem.at[b, h], add=True)

    def wait_gather(c):
        b = lax.rem(c, NBUF)
        for h in range(2):
            pltpu.make_async_copy(tok_hbm.at[half_idx(c, h)], half_buf(c, h),
                                  gsem.at[b, h]).wait()

    def start_scatter(c):
        b = lax.rem(c, NBUF)
        pltpu.async_copy(
            bufs.at[b], out_hbm.at[pl.ds((base + c) * CHUNK, CHUNK)], ssem.at[b])

    def wait_scatter(c):
        b = lax.rem(c, NBUF)
        pltpu.make_async_copy(
            bufs.at[b], out_hbm.at[pl.ds((base + c) * CHUNK, CHUNK)], ssem.at[b]).wait()

    for i in range(PRE):
        start_prefill(i)
    idx_cp.wait()
    for i in range(LOOK):
        wait_prefill(i)
        start_gather(i)

    def step(i, carry):
        @pl.when(i >= SWAIT)
        def _():
            wait_scatter(i - SWAIT)

        @pl.when(i + PRE < n_chunks)
        def _():
            start_prefill(i + PRE)

        @pl.when(i + LOOK < n_chunks)
        def _():
            wait_prefill(i + LOOK)
            start_gather(i + LOOK)

        wait_gather(i)
        start_scatter(i)
        return carry

    lax.fori_loop(0, n_chunks, step, 0)

    for i in range(n_chunks - SWAIT, n_chunks):
        wait_scatter(i)


def kernel(inputs, token_table, pos_table):
    batch, seq_len = inputs.shape
    d_model = token_table.shape[1]
    total = batch * seq_len
    idx_flat = inputs.reshape(total).astype(jnp.int32)
    n_rows = total // NW

    mesh = plsc.VectorSubcoreMesh(core_axis_name="c", subcore_axis_name="s")
    out = pl.kernel(
        _sc_body,
        out_type=jax.ShapeDtypeStruct((total, d_model), jnp.float32),
        mesh=mesh,
        scratch_types=[
            pltpu.VMEM((n_rows,), jnp.int32),
            pltpu.VMEM_SHARED((seq_len + CHUNK, d_model), jnp.float32),
            pltpu.VMEM((NBUF, CHUNK, d_model), jnp.float32),
            pltpu.SemaphoreType.DMA,
            pltpu.SemaphoreType.DMA((NBUF,)),
            pltpu.SemaphoreType.DMA((NBUF, 2)),
            pltpu.SemaphoreType.DMA((NBUF,)),
        ],
    )(idx_flat, token_table, pos_table)
    return out.reshape(batch, seq_len, d_model)

# --- scband reference (transcript-rebuilt; emitter-appended) ---
"""Pipeline reference for scband-token-and-position-embedding-15101105013092 (READ-ONLY COPY).

The authoritative reference and input builder live on the scoring server;
editing this copy changes nothing except your own understanding.
"""

import jax, jax.numpy as jnp
import numpy as np

MAXLEN = 200
VOCAB = 100000
EMBED_DIM = 128
BATCH = 1024

def setup_inputs(seed: int = 0) -> dict:
    key = jax.random.key(seed)
    k1, k2, k3 = jax.random.split(key, 3)
    inputs = jax.random.randint(k1, (BATCH, MAXLEN), 0, VOCAB, dtype=jnp.int64 if jax.config.jax_enable_x64 else jnp.int32)
    token_table = jax.random.normal(k2, (VOCAB, EMBED_DIM), dtype=jnp.float32) * 0.02
    pos_table = jax.random.normal(k3, (MAXLEN, EMBED_DIM), dtype=jnp.float32) * 0.02
    return {"inputs": inputs, "token_table": token_table, "pos_table": pos_table}

def reference(inputs, token_table, pos_table):
    seq_len = inputs.shape[-1]
    positions = jnp.arange(0, seq_len)
    position_embeddings = jnp.take(pos_table, positions, axis=0)  # [L, d]
    token_embeddings = jnp.take(token_table, inputs, axis=0)      # [B, L, d]
    return token_embeddings + position_embeddings[None, :, :]

if __name__ == "__main__":
    import jax
    _d = setup_inputs()
    print(jax.jit(kernel)(*tuple(_d.values())))

</pallas_src>

<mosaic_0001>
#map = affine_map<(d0, d1) -> (0)>
#map1 = affine_map<(d0, d1) -> (0, 0)>
module attributes {stable_mosaic.version = 14 : i64} {
  func.func @_sc_body(%arg0: i32, %arg1: i32, %arg2: memref<204800xi32, #tpu.memory_space<hbm>>, %arg3: memref<100000x128xf32, #tpu.memory_space<hbm>>, %arg4: memref<200x128xf32, #tpu.memory_space<hbm>>, %arg5: memref<204800x128xf32, #tpu.memory_space<hbm>>, %arg6: memref<6400xi32, #tpu.memory_space<vmem>>, %arg7: memref<328x128xf32, #tpu.memory_space<vmem_shared>>, %arg8: memref<7x128x128xf32, #tpu.memory_space<vmem>>, %arg9: memref<!tpu.dma_semaphore, #tpu.memory_space<semaphore_mem>>, %arg10: memref<7x!tpu.dma_semaphore, #tpu.memory_space<semaphore_mem>>, %arg11: memref<7x2x!tpu.dma_semaphore, #tpu.memory_space<semaphore_mem>>, %arg12: memref<7x!tpu.dma_semaphore, #tpu.memory_space<semaphore_mem>>) attributes {dimension_semantics = [#tpu.dimension_semantics<core_parallel>, #tpu.dimension_semantics<subcore_parallel>], iteration_bounds = array<i64: 2, 16>, scalar_prefetch = 0 : i64, scratch_operands = 7 : i64, tpu.core_type = #tpu.core_type<sc_vector_subcore>, window_params = [{transform_indices = #map}, {transform_indices = #map1}, {transform_indices = #map1}, {transform_indices = #map1}]} {
    %mul3A = arith.constant 2 : i32
    %mul3A_0 = arith.muli %arg1, %mul3A : i32
    %add3A = arith.addi %mul3A_0, %arg0 : i32
    %mul3A_1 = arith.constant 50 : i32
    %mul3A_2 = arith.muli %add3A, %mul3A_1 : i32
    %mul3A_3 = arith.constant 6400 : i32
    %mul3A_4 = arith.muli %add3A, %mul3A_3 : i32
    %dma_start3A = tpu.memref_slice %arg2[%mul3A_4] : memref<204800xi32, #tpu.memory_space<hbm>> -> memref<6400xi32, #tpu.memory_space<hbm>>
    %dma_start3A_5 = tpu.memref_slice %arg2[%mul3A_4] : memref<204800xi32, #tpu.memory_space<hbm>> -> memref<6400xi32, #tpu.memory_space<hbm>>
    tpu.enqueue_dma source(%dma_start3A_5 : memref<6400xi32, #tpu.memory_space<hbm>>) target(%arg6 : memref<6400xi32, #tpu.memory_space<vmem>>) target_semaphore(%arg9 : memref<!tpu.dma_semaphore, #tpu.memory_space<semaphore_mem>>)
    %eq3A = arith.constant 0 : i32
    %eq3A_6 = arith.cmpi eq, %arg1, %eq3A : i32
    %convert_element_type3A = arith.extui %eq3A_6 : i1 to i32
    %cond3A = arith.constant 0 : i32
    %cond3A_7 = arith.cmpi ne, %convert_element_type3A, %cond3A : i32
    scf.if %cond3A_7 {
      "tpu.region"() ({
        %run_scoped3A = tpu.sem_alloc : memref<!tpu.dma_semaphore, #tpu.memory_space<semaphore_mem>>
        %dma_start3A_321 = arith.constant 0 : i32
        %dma_start3A_322 = arith.constant 0 : i32
        %dma_start3A_323 = tpu.memref_slice %arg7[%dma_start3A_321, %dma_start3A_322] : memref<328x128xf32, #tpu.memory_space<vmem_shared>> -> memref<200x128xf32, #tpu.memory_space<vmem_shared>>
        tpu.enqueue_dma source(%arg4 : memref<200x128xf32, #tpu.memory_space<hbm>>) target(%dma_start3A_323 : memref<200x128xf32, #tpu.memory_space<vmem_shared>>) target_semaphore(%run_scoped3A : memref<!tpu.dma_semaphore, #tpu.memory_space<semaphore_mem>>)
        %dma_wait3A_324 = arith.constant 0 : i32
        %dma_wait3A_325 = arith.constant 0 : i32
        %dma_wait3A_326 = tpu.memref_slice %arg7[%dma_wait3A_324, %dma_wait3A_325] : memref<328x128xf32, #tpu.memory_space<vmem_shared>> -> memref<200x128xf32, #tpu.memory_space<vmem_shared>>
        tpu.wait_dma2 semaphore(%run_scoped3A : memref<!tpu.dma_semaphore, #tpu.memory_space<semaphore_mem>>) src(%arg4 : memref<200x128xf32, #tpu.memory_space<hbm>>) dst(%dma_wait3A_326 : memref<200x128xf32, #tpu.memory_space<vmem_shared>>)
        tpu.yield
      }) : () -> ()
      "tpu.region"() ({
        %run_scoped3A = tpu.sem_alloc : memref<!tpu.dma_semaphore, #tpu.memory_space<semaphore_mem>>
        %dma_start3A_321 = arith.constant 200 : i32
        %dma_start3A_322 = arith.constant 0 : i32
        %dma_start3A_323 = tpu.memref_slice %arg7[%dma_start3A_321, %dma_start3A_322] : memref<328x128xf32, #tpu.memory_space<vmem_shared>> -> memref<128x128xf32, #tpu.memory_space<vmem_shared>>
        %dma_start3A_324 = arith.constant 0 : i32
        %dma_start3A_325 = arith.constant 0 : i32
        %dma_start3A_326 = tpu.memref_slice %arg4[%dma_start3A_324, %dma_start3A_325] : memref<200x128xf32, #tpu.memory_space<hbm>> -> memref<128x128xf32, #tpu.memory_space<hbm>>
        tpu.enqueue_dma source(%dma_start3A_326 : memref<128x128xf32, #tpu.memory_space<hbm>>) target(%dma_start3A_323 : memref<128x128xf32, #tpu.memory_space<vmem_shared>>) target_semaphore(%run_scoped3A : memref<!tpu.dma_semaphore, #tpu.memory_space<semaphore_mem>>)
        %dma_wait3A_327 = arith.constant 200 : i32
        %dma_wait3A_328 = arith.constant 0 : i32
        %dma_wait3A_329 = tpu.memref_slice %arg7[%dma_wait3A_327, %dma_wait3A_328] : memref<328x128xf32, #tpu.memory_space<vmem_shared>> -> memref<128x128xf32, #tpu.memory_space<vmem_shared>>
        %dma_wait3A_330 = arith.constant 0 : i32
        %dma_wait3A_331 = arith.constant 0 : i32
        %dma_wait3A_332 = tpu.memref_slice %arg4[%dma_wait3A_330, %dma_wait3A_331] : memref<200x128xf32, #tpu.memory_space<hbm>> -> memref<128x128xf32, #tpu.memory_space<hbm>>
        tpu.wait_dma2 semaphore(%run_scoped3A : memref<!tpu.dma_semaphore, #tpu.memory_space<semaphore_mem>>) src(%dma_wait3A_332 : memref<128x128xf32, #tpu.memory_space<hbm>>) dst(%dma_wait3A_329 : memref<128x128xf32, #tpu.memory_space<vmem_shared>>)
        tpu.yield
      }) : () -> ()
    } else {
    }
    %barrier3A = arith.constant 0 : index
    tpu.barrier barrier_id(%barrier3A)
    %rem3A = arith.constant 0 : i32
    %rem3A_8 = arith.constant 7 : i32
    %rem3A_9 = arith.remsi %rem3A, %rem3A_8 : i32
    %rem3A_10 = arith.constant 0 : i32
    %rem3A_11 = arith.constant 200 : i32
    %rem3A_12 = arith.remsi %rem3A_10, %rem3A_11 : i32
    %multiple_of3A = tpu.assume_multiple %rem3A_12, 8 : i32
    %dma_start3A_13 = arith.constant 0 : i32
    %dma_start3A_14 = arith.constant 0 : i32
    %dma_start3A_15 = tpu.memref_slice %arg8[%rem3A_9, %dma_start3A_13, %dma_start3A_14] : memref<7x128x128xf32, #tpu.memory_space<vmem>> -> memref<1x128x128xf32, #tpu.memory_space<vmem>>
    %dma_start3A_16 = tpu.memref_squeeze %dma_start3A_15 : memref<1x128x128xf32, #tpu.memory_space<vmem>> -> memref<128x128xf32, #tpu.memory_space<vmem>>
    %dma_start3A_17 = arith.constant 0 : i32
    %dma_start3A_18 = tpu.memref_slice %arg7[%multiple_of3A, %dma_start3A_17] : memref<328x128xf32, #tpu.memory_space<vmem_shared>> -> memref<128x128xf32, #tpu.memory_space<vmem_shared>>
    %dma_start3A_19 = tpu.memref_slice %arg10[%rem3A_9] : memref<7x!tpu.dma_semaphore, #tpu.memory_space<semaphore_mem>> -> memref<1x!tpu.dma_semaphore, #tpu.memory_space<semaphore_mem>>
    %dma_start3A_20 = tpu.memref_squeeze %dma_start3A_19 : memref<1x!tpu.dma_semaphore, #tpu.memory_space<semaphore_mem>> -> memref<!tpu.dma_semaphore, #tpu.memory_space<semaphore_mem>>
    %dma_start3A_21 = arith.constant 0 : i32
    %dma_start3A_22 = arith.constant 0 : i32
    %dma_start3A_23 = tpu.memref_slice %arg8[%rem3A_9, %dma_start3A_21, %dma_start3A_22] : memref<7x128x128xf32, #tpu.memory_space<vmem>> -> memref<1x128x128xf32, #tpu.memory_space<vmem>>
    %dma_start3A_24 = tpu.memref_squeeze %dma_start3A_23 : memref<1x128x128xf32, #tpu.memory_space<vmem>> -> memref<128x128xf32, #tpu.memory_space<vmem>>
    %dma_start3A_25 = arith.constant 0 : i32
    %dma_start3A_26 = tpu.memref_slice %arg7[%multiple_of3A, %dma_start3A_25] : memref<328x128xf32, #tpu.memory_space<vmem_shared>> -> memref<128x128xf32, #tpu.memory_space<vmem_shared>>
    tpu.enqueue_dma source(%dma_start3A_26 : memref<128x128xf32, #tpu.memory_space<vmem_shared>>) target(%dma_start3A_24 : memref<128x128xf32, #tpu.memory_space<vmem>>) target_semaphore(%dma_start3A_20 : memref<!tpu.dma_semaphore, #tpu.memory_space<semaphore_mem>>)
    %rem3A_27 = arith.constant 1 : i32
    %rem3A_28 = arith.constant 7 : i32
    %rem3A_29 = arith.remsi %rem3A_27, %rem3A_28 : i32
    %rem3A_30 = arith.constant 128 : i32
    %rem3A_31 = arith.constant 200 : i32
    %rem3A_32 = arith.remsi %rem3A_30, %rem3A_31 : i32
    %multiple_of3A_33 = tpu.assume_multiple %rem3A_32, 8 : i32
    %dma_start3A_34 = arith.constant 0 : i32
    %dma_start3A_35 = arith.constant 0 : i32
    %dma_start3A_36 = tpu.memref_slice %arg8[%rem3A_29, %dma_start3A_34, %dma_start3A_35] : memref<7x128x128xf32, #tpu.memory_space<vmem>> -> memref<1x128x128xf32, #tpu.memory_space<vmem>>
    %dma_start3A_37 = tpu.memref_squeeze %dma_start3A_36 : memref<1x128x128xf32, #tpu.memory_space<vmem>> -> memref<128x128xf32, #tpu.memory_space<vmem>>
    %dma_start3A_38 = arith.constant 0 : i32
    %dma_start3A_39 = tpu.memref_slice %arg7[%multiple_of3A_33, %dma_start3A_38] : memref<328x128xf32, #tpu.memory_space<vmem_shared>> -> memref<128x128xf32, #tpu.memory_space<vmem_shared>>
    %dma_start3A_40 = tpu.memref_slice %arg10[%rem3A_29] : memref<7x!tpu.dma_semaphore, #tpu.memory_space<semaphore_mem>> -> memref<1x!tpu.dma_semaphore, #tpu.memory_space<semaphore_mem>>
    %dma_start3A_41 = tpu.memref_squeeze %dma_start3A_40 : memref<1x!tpu.dma_semaphore, #tpu.memory_space<semaphore_mem>> -> memref<!tpu.dma_semaphore, #tpu.memory_space<semaphore_mem>>
    %dma_start3A_42 = arith.constant 0 : i32
    %dma_start3A_43 = arith.constant 0 : i32
    %dma_start3A_44 = tpu.memref_slice %arg8[%rem3A_29, %dma_start3A_42, %dma_start3A_43] : memref<7x128x128xf32, #tpu.memory_space<vmem>> -> memref<1x128x128xf32, #tpu.memory_space<vmem>>
    %dma_start3A_45 = tpu.memref_squeeze %dma_start3A_44 : memref<1x128x128xf32, #tpu.memory_space<vmem>> -> memref<128x128xf32, #tpu.memory_space<vmem>>
    %dma_start3A_46 = arith.constant 0 : i32
    %dma_start3A_47 = tpu.memref_slice %arg7[%multiple_of3A_33, %dma_start3A_46] : memref<328x128xf32, #tpu.memory_space<vmem_shared>> -> memref<128x128xf32, #tpu.memory_space<vmem_shared>>
    tpu.enqueue_dma source(%dma_start3A_47 : memref<128x128xf32, #tpu.memory_space<vmem_shared>>) target(%dma_start3A_45 : memref<128x128xf32, #tpu.memory_space<vmem>>) target_semaphore(%dma_start3A_41 : memref<!tpu.dma_semaphore, #tpu.memory_space<semaphore_mem>>)
    %rem3A_48 = arith.constant 2 : i32
    %rem3A_49 = arith.constant 7 : i32
    %rem3A_50 = arith.remsi %rem3A_48, %rem3A_49 : i32
    %rem3A_51 = arith.constant 256 : i32
    %rem3A_52 = arith.constant 200 : i32
    %rem3A_53 = arith.remsi %rem3A_51, %rem3A_52 : i32
    %multiple_of3A_54 = tpu.assume_multiple %rem3A_53, 8 : i32
    %dma_start3A_55 = arith.constant 0 : i32
    %dma_start3A_56 = arith.constant 0 : i32
    %dma_start3A_57 = tpu.memref_slice %arg8[%rem3A_50, %dma_start3A_55, %dma_start3A_56] : memref<7x128x128xf32, #tpu.memory_space<vmem>> -> memref<1x128x128xf32, #tpu.memory_space<vmem>>
    %dma_start3A_58 = tpu.memref_squeeze %dma_start3A_57 : memref<1x128x128xf32, #tpu.memory_space<vmem>> -> memref<128x128xf32, #tpu.memory_space<vmem>>
    %dma_start3A_59 = arith.constant 0 : i32
    %dma_start3A_60 = tpu.memref_slice %arg7[%multiple_of3A_54, %dma_start3A_59] : memref<328x128xf32, #tpu.memory_space<vmem_shared>> -> memref<128x128xf32, #tpu.memory_space<vmem_shared>>
    %dma_start3A_61 = tpu.memref_slice %arg10[%rem3A_50] : memref<7x!tpu.dma_semaphore, #tpu.memory_space<semaphore_mem>> -> memref<1x!tpu.dma_semaphore, #tpu.memory_space<semaphore_mem>>
    %dma_start3A_62 = tpu.memref_squeeze %dma_start3A_61 : memref<1x!tpu.dma_semaphore, #tpu.memory_space<semaphore_mem>> -> memref<!tpu.dma_semaphore, #tpu.memory_space<semaphore_mem>>
    %dma_start3A_63 = arith.constant 0 : i32
    %dma_start3A_64 = arith.constant 0 : i32
    %dma_start3A_65 = tpu.memref_slice %arg8[%rem3A_50, %dma_start3A_63, %dma_start3A_64] : memref<7x128x128xf32, #tpu.memory_space<vmem>> -> memref<1x128x128xf32, #tpu.memory_space<vmem>>
    %dma_start3A_66 = tpu.memref_squeeze %dma_start3A_65 : memref<1x128x128xf32, #tpu.memory_space<vmem>> -> memref<128x128xf32, #tpu.memory_space<vmem>>
    %dma_start3A_67 = arith.constant 0 : i32
    %dma_start3A_68 = tpu.memref_slice %arg7[%multiple_of3A_54, %dma_start3A_67] : memref<328x128xf32, #tpu.memory_space<vmem_shared>> -> memref<128x128xf32, #tpu.memory_space<vmem_shared>>
    tpu.enqueue_dma source(%dma_start3A_68 : memref<128x128xf32, #tpu.memory_space<vmem_shared>>) target(%dma_start3A_66 : memref<128x128xf32, #tpu.memory_space<vmem>>) target_semaphore(%dma_start3A_62 : memref<!tpu.dma_semaphore, #tpu.memory_space<semaphore_mem>>)
    %rem3A_69 = arith.constant 3 : i32
    %rem3A_70 = arith.constant 7 : i32
    %rem3A_71 = arith.remsi %rem3A_69, %rem3A_70 : i32
    %rem3A_72 = arith.constant 384 : i32
    %rem3A_73 = arith.constant 200 : i32
    %rem3A_74 = arith.remsi %rem3A_72, %rem3A_73 : i32
    %multiple_of3A_75 = tpu.assume_multiple %rem3A_74, 8 : i32
    %dma_start3A_76 = arith.constant 0 : i32
    %dma_start3A_77 = arith.constant 0 : i32
    %dma_start3A_78 = tpu.memref_slice %arg8[%rem3A_71, %dma_start3A_76, %dma_start3A_77] : memref<7x128x128xf32, #tpu.memory_space<vmem>> -> memref<1x128x128xf32, #tpu.memory_space<vmem>>
    %dma_start3A_79 = tpu.memref_squeeze %dma_start3A_78 : memref<1x128x128xf32, #tpu.memory_space<vmem>> -> memref<128x128xf32, #tpu.memory_space<vmem>>
    %dma_start3A_80 = arith.constant 0 : i32
    %dma_start3A_81 = tpu.memref_slice %arg7[%multiple_of3A_75, %dma_start3A_80] : memref<328x128xf32, #tpu.memory_space<vmem_shared>> -> memref<128x128xf32, #tpu.memory_space<vmem_shared>>
    %dma_start3A_82 = tpu.memref_slice %arg10[%rem3A_71] : memref<7x!tpu.dma_semaphore, #tpu.memory_space<semaphore_mem>> -> memref<1x!tpu.dma_semaphore, #tpu.memory_space<semaphore_mem>>
    %dma_start3A_83 = tpu.memref_squeeze %dma_start3A_82 : memref<1x!tpu.dma_semaphore, #tpu.memory_space<semaphore_mem>> -> memref<!tpu.dma_semaphore, #tpu.memory_space<semaphore_mem>>
    %dma_start3A_84 = arith.constant 0 : i32
    %dma_start3A_85 = arith.constant 0 : i32
    %dma_start3A_86 = tpu.memref_slice %arg8[%rem3A_71, %dma_start3A_84, %dma_start3A_85] : memref<7x128x128xf32, #tpu.memory_space<vmem>> -> memref<1x128x128xf32, #tpu.memory_space<vmem>>
    %dma_start3A_87 = tpu.memref_squeeze %dma_start3A_86 : memref<1x128x128xf32, #tpu.memory_space<vmem>> -> memref<128x128xf32, #tpu.memory_space<vmem>>
    %dma_start3A_88 = arith.constant 0 : i32
    %dma_start3A_89 = tpu.memref_slice %arg7[%multiple_of3A_75, %dma_start3A_88] : memref<328x128xf32, #tpu.memory_space<vmem_shared>> -> memref<128x128xf32, #tpu.memory_space<vmem_shared>>
    tpu.enqueue_dma source(%dma_start3A_89 : memref<128x128xf32, #tpu.memory_space<vmem_shared>>) target(%dma_start3A_87 : memref<128x128xf32, #tpu.memory_space<vmem>>) target_semaphore(%dma_start3A_83 : memref<!tpu.dma_semaphore, #tpu.memory_space<semaphore_mem>>)
    %dma_wait3A = tpu.memref_slice %arg2[%mul3A_4] : memref<204800xi32, #tpu.memory_space<hbm>> -> memref<6400xi32, #tpu.memory_space<hbm>>
    %dma_wait3A_90 = tpu.memref_slice %arg2[%mul3A_4] : memref<204800xi32, #tpu.memory_space<hbm>> -> memref<6400xi32, #tpu.memory_space<hbm>>
    tpu.wait_dma2 semaphore(%arg9 : memref<!tpu.dma_semaphore, #tpu.memory_space<semaphore_mem>>) src(%dma_wait3A_90 : memref<6400xi32, #tpu.memory_space<hbm>>) dst(%arg6 : memref<6400xi32, #tpu.memory_space<vmem>>)
    %rem3A_91 = arith.constant 0 : i32
    %rem3A_92 = arith.constant 7 : i32
    %rem3A_93 = arith.remsi %rem3A_91, %rem3A_92 : i32
    %rem3A_94 = arith.constant 0 : i32
    %rem3A_95 = arith.constant 200 : i32
    %rem3A_96 = arith.remsi %rem3A_94, %rem3A_95 : i32
    %multiple_of3A_97 = tpu.assume_multiple %rem3A_96, 8 : i32
    %dma_wait3A_98 = arith.constant 0 : i32
    %dma_wait3A_99 = arith.constant 0 : i32
    %dma_wait3A_100 = tpu.memref_slice %arg8[%rem3A_93, %dma_wait3A_98, %dma_wait3A_99] : memref<7x128x128xf32, #tpu.memory_space<vmem>> -> memref<1x128x128xf32, #tpu.memory_space<vmem>>
    %dma_wait3A_101 = tpu.memref_squeeze %dma_wait3A_100 : memref<1x128x128xf32, #tpu.memory_space<vmem>> -> memref<128x128xf32, #tpu.memory_space<vmem>>
    %dma_wait3A_102 = arith.constant 0 : i32
    %dma_wait3A_103 = tpu.memref_slice %arg7[%multiple_of3A_97, %dma_wait3A_102] : memref<328x128xf32, #tpu.memory_space<vmem_shared>> -> memref<128x128xf32, #tpu.memory_space<vmem_shared>>
    %dma_wait3A_104 = tpu.memref_slice %arg10[%rem3A_93] : memref<7x!tpu.dma_semaphore, #tpu.memory_space<semaphore_mem>> -> memref<1x!tpu.dma_semaphore, #tpu.memory_space<semaphore_mem>>
    %dma_wait3A_105 = tpu.memref_squeeze %dma_wait3A_104 : memref<1x!tpu.dma_semaphore, #tpu.memory_space<semaphore_mem>> -> memref<!tpu.dma_semaphore, #tpu.memory_space<semaphore_mem>>
    %dma_wait3A_106 = arith.constant 0 : i32
    %dma_wait3A_107 = arith.constant 0 : i32
    %dma_wait3A_108 = tpu.memref_slice %arg8[%rem3A_93, %dma_wait3A_106, %dma_wait3A_107] : memref<7x128x128xf32, #tpu.memory_space<vmem>> -> memref<1x128x128xf32, #tpu.memory_space<vmem>>
    %dma_wait3A_109 = tpu.memref_squeeze %dma_wait3A_108 : memref<1x128x128xf32, #tpu.memory_space<vmem>> -> memref<128x128xf32, #tpu.memory_space<vmem>>
    %dma_wait3A_110 = arith.constant 0 : i32
    %dma_wait3A_111 = tpu.memref_slice %arg7[%multiple_of3A_97, %dma_wait3A_110] : memref<328x128xf32, #tpu.memory_space<vmem_shared>> -> memref<128x128xf32, #tpu.memory_space<vmem_shared>>
    tpu.wait_dma2 semaphore(%dma_wait3A_105 : memref<!tpu.dma_semaphore, #tpu.memory_space<semaphore_mem>>) src(%dma_wait3A_111 : memref<128x128xf32, #tpu.memory_space<vmem_shared>>) dst(%dma_wait3A_109 : memref<128x128xf32, #tpu.memory_space<vmem>>)
    %rem3A_112 = arith.constant 0 : i32
    %rem3A_113 = arith.constant 7 : i32
    %rem3A_114 = arith.remsi %rem3A_112, %rem3A_113 : i32
    %rem3A_115 = arith.constant 0 : i32
    %rem3A_116 = arith.constant 7 : i32
    %rem3A_117 = arith.remsi %rem3A_115, %rem3A_116 : i32
    %dma_start3A_118 = arith.constant 0 : i32
    %dma_start3A_119 = arith.constant 0 : i32
    %dma_start3A_120 = arith.constant 0 : i32
    %dma_start3A_121 = tpu.memref_slice %arg8[%rem3A_117, %dma_start3A_119, %dma_start3A_120] : memref<7x128x128xf32, #tpu.memory_space<vmem>> -> memref<1x64x128xf32, #tpu.memory_space<vmem>>
    %dma_start3A_122 = tpu.memref_squeeze %dma_start3A_121 : memref<1x64x128xf32, #tpu.memory_space<vmem>> -> memref<64x128xf32, #tpu.memory_space<vmem>>
    %dma_start3A_123 = arith.constant 0 : i32
    %dma_start3A_124 = tpu.memref_slice %arg6[%dma_start3A_123] : memref<6400xi32, #tpu.memory_space<vmem>> -> memref<64xi32, #tpu.memory_space<vmem>>
    %dma_start3A_125 = arith.constant 0 : i32
    %dma_start3A_126 = arith.constant 0 : i32
    %dma_start3A_127 = tpu.memref_slice %arg3[%dma_start3A_125, %dma_start3A_126] : memref<100000x128xf32, #tpu.memory_space<hbm>> -> memref<100000x128xf32, #tpu.memory_space<hbm>>
    %dma_start3A_128 = tpu.memref_slice %arg11[%rem3A_114, %dma_start3A_118] : memref<7x2x!tpu.dma_semaphore, #tpu.memory_space<semaphore_mem>> -> memref<1x1x!tpu.dma_semaphore, #tpu.memory_space<semaphore_mem>>
    %dma_start3A_129 = tpu.memref_squeeze %dma_start3A_128 : memref<1x1x!tpu.dma_semaphore, #tpu.memory_space<semaphore_mem>> -> memref<!tpu.dma_semaphore, #tpu.memory_space<semaphore_mem>>
    tpu.enqueue_indirect_dma source(%dma_start3A_127 : memref<100000x128xf32, #tpu.memory_space<hbm>>) target(%dma_start3A_122 : memref<64x128xf32, #tpu.memory_space<vmem>>) offsets(%dma_start3A_124 : memref<64xi32, #tpu.memory_space<vmem>>) semaphore(%dma_start3A_129 : memref<!tpu.dma_semaphore, #tpu.memory_space<semaphore_mem>>) {add = true}
    %rem3A_130 = arith.constant 0 : i32
    %rem3A_131 = arith.constant 7 : i32
    %rem3A_132 = arith.remsi %rem3A_130, %rem3A_131 : i32
    %dma_start3A_133 = arith.constant 1 : i32
    %dma_start3A_134 = arith.constant 64 : i32
    %dma_start3A_135 = arith.constant 0 : i32
    %dma_start3A_136 = tpu.memref_slice %arg8[%rem3A_132, %dma_start3A_134, %dma_start3A_135] : memref<7x128x128xf32, #tpu.memory_space<vmem>> -> memref<1x64x128xf32, #tpu.memory_space<vmem>>
    %dma_start3A_137 = tpu.memref_squeeze %dma_start3A_136 : memref<1x64x128xf32, #tpu.memory_space<vmem>> -> memref<64x128xf32, #tpu.memory_space<vmem>>
    %dma_start3A_138 = arith.constant 64 : i32
    %dma_start3A_139 = tpu.memref_slice %arg6[%dma_start3A_138] : memref<6400xi32, #tpu.memory_space<vmem>> -> memref<64xi32, #tpu.memory_space<vmem>>
    %dma_start3A_140 = arith.constant 0 : i32
    %dma_start3A_141 = arith.constant 0 : i32
    %dma_start3A_142 = tpu.memref_slice %arg3[%dma_start3A_140, %dma_start3A_141] : memref<100000x128xf32, #tpu.memory_space<hbm>> -> memref<100000x128xf32, #tpu.memory_space<hbm>>
    %dma_start3A_143 = tpu.memref_slice %arg11[%rem3A_114, %dma_start3A_133] : memref<7x2x!tpu.dma_semaphore, #tpu.memory_space<semaphore_mem>> -> memref<1x1x!tpu.dma_semaphore, #tpu.memory_space<semaphore_mem>>
    %dma_start3A_144 = tpu.memref_squeeze %dma_start3A_143 : memref<1x1x!tpu.dma_semaphore, #tpu.memory_space<semaphore_mem>> -> memref<!tpu.dma_semaphore, #tpu.memory_space<semaphore_mem>>
    tpu.enqueue_indirect_dma source(%dma_start3A_142 : memref<100000x128xf32, #tpu.memory_space<hbm>>) target(%dma_start3A_137 : memref<64x128xf32, #tpu.memory_space<vmem>>) offsets(%dma_start3A_139 : memref<64xi32, #tpu.memory_space<vmem>>) semaphore(%dma_start3A_144 : memref<!tpu.dma_semaphore, #tpu.memory_space<semaphore_mem>>) {add = true}
    %rem3A_145 = arith.constant 1 : i32
    %rem3A_146 = arith.constant 7 : i32
    %rem3A_147 = arith.remsi %rem3A_145, %rem3A_146 : i32
    %rem3A_148 = arith.constant 128 : i32
    %rem3A_149 = arith.constant 200 : i32
    %rem3A_150 = arith.remsi %rem3A_148, %rem3A_149 : i32
    %multiple_of3A_151 = tpu.assume_multiple %rem3A_150, 8 : i32
    %dma_wait3A_152 = arith.constant 0 : i32
    %dma_wait3A_153 = arith.constant 0 : i32
    %dma_wait3A_154 = tpu.memref_slice %arg8[%rem3A_147, %dma_wait3A_152, %dma_wait3A_153] : memref<7x128x128xf32, #tpu.memory_space<vmem>> -> memref<1x128x128xf32, #tpu.memory_space<vmem>>
    %dma_wait3A_155 = tpu.memref_squeeze %dma_wait3A_154 : memref<1x128x128xf32, #tpu.memory_space<vmem>> -> memref<128x128xf32, #tpu.memory_space<vmem>>
    %dma_wait3A_156 = arith.constant 0 : i32
    %dma_wait3A_157 = tpu.memref_slice %arg7[%multiple_of3A_151, %dma_wait3A_156] : memref<328x128xf32, #tpu.memory_space<vmem_shared>> -> memref<128x128xf32, #tpu.memory_space<vmem_shared>>
    %dma_wait3A_158 = tpu.memref_slice %arg10[%rem3A_147] : memref<7x!tpu.dma_semaphore, #tpu.memory_space<semaphore_mem>> -> memref<1x!tpu.dma_semaphore, #tpu.memory_space<semaphore_mem>>
    %dma_wait3A_159 = tpu.memref_squeeze %dma_wait3A_158 : memref<1x!tpu.dma_semaphore, #tpu.memory_space<semaphore_mem>> -> memref<!tpu.dma_semaphore, #tpu.memory_space<semaphore_mem>>
    %dma_wait3A_160 = arith.constant 0 : i32
    %dma_wait3A_161 = arith.constant 0 : i32
    %dma_wait3A_162 = tpu.memref_slice %arg8[%rem3A_147, %dma_wait3A_160, %dma_wait3A_161] : memref<7x128x128xf32, #tpu.memory_space<vmem>> -> memref<1x128x128xf32, #tpu.memory_space<vmem>>
    %dma_wait3A_163 = tpu.memref_squeeze %dma_wait3A_162 : memref<1x128x128xf32, #tpu.memory_space<vmem>> -> memref<128x128xf32, #tpu.memory_space<vmem>>
    %dma_wait3A_164 = arith.constant 0 : i32
    %dma_wait3A_165 = tpu.memref_slice %arg7[%multiple_of3A_151, %dma_wait3A_164] : memref<328x128xf32, #tpu.memory_space<vmem_shared>> -> memref<128x128xf32, #tpu.memory_space<vmem_shared>>
    tpu.wait_dma2 semaphore(%dma_wait3A_159 : memref<!tpu.dma_semaphore, #tpu.memory_space<semaphore_mem>>) src(%dma_wait3A_165 : memref<128x128xf32, #tpu.memory_space<vmem_shared>>) dst(%dma_wait3A_163 : memref<128x128xf32, #tpu.memory_space<vmem>>)
    %rem3A_166 = arith.constant 1 : i32
    %rem3A_167 = arith.constant 7 : i32
    %rem3A_168 = arith.remsi %rem3A_166, %rem3A_167 : i32
    %rem3A_169 = arith.constant 1 : i32
    %rem3A_170 = arith.constant 7 : i32
    %rem3A_171 = arith.remsi %rem3A_169, %rem3A_170 : i32
    %dma_start3A_172 = arith.constant 0 : i32
    %dma_start3A_173 = arith.constant 0 : i32
    %dma_start3A_174 = arith.constant 0 : i32
    %dma_start3A_175 = tpu.memref_slice %arg8[%rem3A_171, %dma_start3A_173, %dma_start3A_174] : memref<7x128x128xf32, #tpu.memory_space<vmem>> -> memref<1x64x128xf32, #tpu.memory_space<vmem>>
    %dma_start3A_176 = tpu.memref_squeeze %dma_start3A_175 : memref<1x64x128xf32, #tpu.memory_space<vmem>> -> memref<64x128xf32, #tpu.memory_space<vmem>>
    %dma_start3A_177 = arith.constant 128 : i32
    %dma_start3A_178 = tpu.memref_slice %arg6[%dma_start3A_177] : memref<6400xi32, #tpu.memory_space<vmem>> -> memref<64xi32, #tpu.memory_space<vmem>>
    %dma_start3A_179 = arith.constant 0 : i32
    %dma_start3A_180 = arith.constant 0 : i32
    %dma_start3A_181 = tpu.memref_slice %arg3[%dma_start3A_179, %dma_start3A_180] : memref<100000x128xf32, #tpu.memory_space<hbm>> -> memref<100000x128xf32, #tpu.memory_space<hbm>>
    %dma_start3A_182 = tpu.memref_slice %arg11[%rem3A_168, %dma_start3A_172] : memref<7x2x!tpu.dma_semaphore, #tpu.memory_space<semaphore_mem>> -> memref<1x1x!tpu.dma_semaphore, #tpu.memory_space<semaphore_mem>>
    %dma_start3A_183 = tpu.memref_squeeze %dma_start3A_182 : memref<1x1x!tpu.dma_semaphore, #tpu.memory_space<semaphore_mem>> -> memref<!tpu.dma_semaphore, #tpu.memory_space<semaphore_mem>>
    tpu.enqueue_indirect_dma source(%dma_start3A_181 : memref<100000x128xf32, #tpu.memory_space<hbm>>) target(%dma_start3A_176 : memref<64x128xf32, #tpu.memory_space<vmem>>) offsets(%dma_start3A_178 : memref<64xi32, #tpu.memory_space<vmem>>) semaphore(%dma_start3A_183 : memref<!tpu.dma_semaphore, #tpu.memory_space<semaphore_mem>>) {add = true}
    %rem3A_184 = arith.constant 1 : i32
    %rem3A_185 = arith.constant 7 : i32
    %rem3A_186 = arith.remsi %rem3A_184, %rem3A_185 : i32
    %dma_start3A_187 = arith.constant 1 : i32
    %dma_start3A_188 = arith.constant 64 : i32
    %dma_start3A_189 = arith.constant 0 : i32
    %dma_start3A_190 = tpu.memref_slice %arg8[%rem3A_186, %dma_start3A_188, %dma_start3A_189] : memref<7x128x128xf32, #tpu.memory_space<vmem>> -> memref<1x64x128xf32, #tpu.memory_space<vmem>>
    %dma_start3A_191 = tpu.memref_squeeze %dma_start3A_190 : memref<1x64x128xf32, #tpu.memory_space<vmem>> -> memref<64x128xf32, #tpu.memory_space<vmem>>
    %dma_start3A_192 = arith.constant 192 : i32
    %dma_start3A_193 = tpu.memref_slice %arg6[%dma_start3A_192] : memref<6400xi32, #tpu.memory_space<vmem>> -> memref<64xi32, #tpu.memory_space<vmem>>
    %dma_start3A_194 = arith.constant 0 : i32
    %dma_start3A_195 = arith.constant 0 : i32
    %dma_start3A_196 = tpu.memref_slice %arg3[%dma_start3A_194, %dma_start3A_195] : memref<100000x128xf32, #tpu.memory_space<hbm>> -> memref<100000x128xf32, #tpu.memory_space<hbm>>
    %dma_start3A_197 = tpu.memref_slice %arg11[%rem3A_168, %dma_start3A_187] : memref<7x2x!tpu.dma_semaphore, #tpu.memory_space<semaphore_mem>> -> memref<1x1x!tpu.dma_semaphore, #tpu.memory_space<semaphore_mem>>
    %dma_start3A_198 = tpu.memref_squeeze %dma_start3A_197 : memref<1x1x!tpu.dma_semaphore, #tpu.memory_space<semaphore_mem>> -> memref<!tpu.dma_semaphore, #tpu.memory_space<semaphore_mem>>
    tpu.enqueue_indirect_dma source(%dma_start3A_196 : memref<100000x128xf32, #tpu.memory_space<hbm>>) target(%dma_start3A_191 : memref<64x128xf32, #tpu.memory_space<vmem>>) offsets(%dma_start3A_193 : memref<64xi32, #tpu.memory_space<vmem>>) semaphore(%dma_start3A_198 : memref<!tpu.dma_semaphore, #tpu.memory_space<semaphore_mem>>) {add = true}
    %rem3A_199 = arith.constant 2 : i32
    %rem3A_200 = arith.constant 7 : i32
    %rem3A_201 = arith.remsi %rem3A_199, %rem3A_200 : i32
    %rem3A_202 = arith.constant 256 : i32
    %rem3A_203 = arith.constant 200 : i32
    %rem3A_204 = arith.remsi %rem3A_202, %rem3A_203 : i32
    %multiple_of3A_205 = tpu.assume_multiple %rem3A_204, 8 : i32
    %dma_wait3A_206 = arith.constant 0 : i32
    %dma_wait3A_207 = arith.constant 0 : i32
    %dma_wait3A_208 = tpu.memref_slice %arg8[%rem3A_201, %dma_wait3A_206, %dma_wait3A_207] : memref<7x128x128xf32, #tpu.memory_space<vmem>> -> memref<1x128x128xf32, #tpu.memory_space<vmem>>
    %dma_wait3A_209 = tpu.memref_squeeze %dma_wait3A_208 : memref<1x128x128xf32, #tpu.memory_space<vmem>> -> memref<128x128xf32, #tpu.memory_space<vmem>>
    %dma_wait3A_210 = arith.constant 0 : i32
    %dma_wait3A_211 = tpu.memref_slice %arg7[%multiple_of3A_205, %dma_wait3A_210] : memref<328x128xf32, #tpu.memory_space<vmem_shared>> -> memref<128x128xf32, #tpu.memory_space<vmem_shared>>
    %dma_wait3A_212 = tpu.memref_slice %arg10[%rem3A_201] : memref<7x!tpu.dma_semaphore, #tpu.memory_space<semaphore_mem>> -> memref<1x!tpu.dma_semaphore, #tpu.memory_space<semaphore_mem>>
    %dma_wait3A_213 = tpu.memref_squeeze %dma_wait3A_212 : memref<1x!tpu.dma_semaphore, #tpu.memory_space<semaphore_mem>> -> memref<!tpu.dma_semaphore, #tpu.memory_space<semaphore_mem>>
    %dma_wait3A_214 = arith.constant 0 : i32
    %dma_wait3A_215 = arith.constant 0 : i32
    %dma_wait3A_216 = tpu.memref_slice %arg8[%rem3A_201, %dma_wait3A_214, %dma_wait3A_215] : memref<7x128x128xf32, #tpu.memory_space<vmem>> -> memref<1x128x128xf32, #tpu.memory_space<vmem>>
    %dma_wait3A_217 = tpu.memref_squeeze %dma_wait3A_216 : memref<1x128x128xf32, #tpu.memory_space<vmem>> -> memref<128x128xf32, #tpu.memory_space<vmem>>
    %dma_wait3A_218 = arith.constant 0 : i32
    %dma_wait3A_219 = tpu.memref_slice %arg7[%multiple_of3A_205, %dma_wait3A_218] : memref<328x128xf32, #tpu.memory_space<vmem_shared>> -> memref<128x128xf32, #tpu.memory_space<vmem_shared>>
    tpu.wait_dma2 semaphore(%dma_wait3A_213 : memref<!tpu.dma_semaphore, #tpu.memory_space<semaphore_mem>>) src(%dma_wait3A_219 : memref<128x128xf32, #tpu.memory_space<vmem_shared>>) dst(%dma_wait3A_217 : memref<128x128xf32, #tpu.memory_space<vmem>>)
    %rem3A_220 = arith.constant 2 : i32
    %rem3A_221 = arith.constant 7 : i32
    %rem3A_222 = arith.remsi %rem3A_220, %rem3A_221 : i32
    %rem3A_223 = arith.constant 2 : i32
    %rem3A_224 = arith.constant 7 : i32
    %rem3A_225 = arith.remsi %rem3A_223, %rem3A_224 : i32
    %dma_start3A_226 = arith.constant 0 : i32
    %dma_start3A_227 = arith.constant 0 : i32
    %dma_start3A_228 = arith.constant 0 : i32
    %dma_start3A_229 = tpu.memref_slice %arg8[%rem3A_225, %dma_start3A_227, %dma_start3A_228] : memref<7x128x128xf32, #tpu.memory_space<vmem>> -> memref<1x64x128xf32, #tpu.memory_space<vmem>>
    %dma_start3A_230 = tpu.memref_squeeze %dma_start3A_229 : memref<1x64x128xf32, #tpu.memory_space<vmem>> -> memref<64x128xf32, #tpu.memory_space<vmem>>
    %dma_start3A_231 = arith.constant 256 : i32
    %dma_start3A_232 = tpu.memref_slice %arg6[%dma_start3A_231] : memref<6400xi32, #tpu.memory_space<vmem>> -> memref<64xi32, #tpu.memory_space<vmem>>
    %dma_start3A_233 = arith.constant 0 : i32
    %dma_start3A_234 = arith.constant 0 : i32
    %dma_start3A_235 = tpu.memref_slice %arg3[%dma_start3A_233, %dma_start3A_234] : memref<100000x128xf32, #tpu.memory_space<hbm>> -> memref<100000x128xf32, #tpu.memory_space<hbm>>
    %dma_start3A_236 = tpu.memref_slice %arg11[%rem3A_222, %dma_start3A_226] : memref<7x2x!tpu.dma_semaphore, #tpu.memory_space<semaphore_mem>> -> memref<1x1x!tpu.dma_semaphore, #tpu.memory_space<semaphore_mem>>
    %dma_start3A_237 = tpu.memref_squeeze %dma_start3A_236 : memref<1x1x!tpu.dma_semaphore, #tpu.memory_space<semaphore_mem>> -> memref<!tpu.dma_semaphore, #tpu.memory_space<semaphore_mem>>
    tpu.enqueue_indirect_dma source(%dma_start3A_235 : memref<100000x128xf32, #tpu.memory_space<hbm>>) target(%dma_start3A_230 : memref<64x128xf32, #tpu.memory_space<vmem>>) offsets(%dma_start3A_232 : memref<64xi32, #tpu.memory_space<vmem>>) semaphore(%dma_start3A_237 : memref<!tpu.dma_semaphore, #tpu.memory_space<semaphore_mem>>) {add = true}
    %rem3A_238 = arith.constant 2 : i32
    %rem3A_239 = arith.constant 7 : i32
    %rem3A_240 = arith.remsi %rem3A_238, %rem3A_239 : i32
    %dma_start3A_241 = arith.constant 1 : i32
    %dma_start3A_242 = arith.constant 64 : i32
    %dma_start3A_243 = arith.constant 0 : i32
    %dma_start3A_244 = tpu.memref_slice %arg8[%rem3A_240, %dma_start3A_242, %dma_start3A_243] : memref<7x128x128xf32, #tpu.memory_space<vmem>> -> memref<1x64x128xf32, #tpu.memory_space<vmem>>
    %dma_start3A_245 = tpu.memref_squeeze %dma_start3A_244 : memref<1x64x128xf32, #tpu.memory_space<vmem>> -> memref<64x128xf32, #tpu.memory_space<vmem>>
    %dma_start3A_246 = arith.constant 320 : i32
    %dma_start3A_247 = tpu.memref_slice %arg6[%dma_start3A_246] : memref<6400xi32, #tpu.memory_space<vmem>> -> memref<64xi32, #tpu.memory_space<vmem>>
    %dma_start3A_248 = arith.constant 0 : i32
    %dma_start3A_249 = arith.constant 0 : i32
    %dma_start3A_250 = tpu.memref_slice %arg3[%dma_start3A_248, %dma_start3A_249] : memref<100000x128xf32, #tpu.memory_space<hbm>> -> memref<100000x128xf32, #tpu.memory_space<hbm>>
    %dma_start3A_251 = tpu.memref_slice %arg11[%rem3A_222, %dma_start3A_241] : memref<7x2x!tpu.dma_semaphore, #tpu.memory_space<semaphore_mem>> -> memref<1x1x!tpu.dma_semaphore, #tpu.memory_space<semaphore_mem>>
    %dma_start3A_252 = tpu.memref_squeeze %dma_start3A_251 : memref<1x1x!tpu.dma_semaphore, #tpu.memory_space<semaphore_mem>> -> memref<!tpu.dma_semaphore, #tpu.memory_space<semaphore_mem>>
    tpu.enqueue_indirect_dma source(%dma_start3A_250 : memref<100000x128xf32, #tpu.memory_space<hbm>>) target(%dma_start3A_245 : memref<64x128xf32, #tpu.memory_space<vmem>>) offsets(%dma_start3A_247 : memref<64xi32, #tpu.memory_space<vmem>>) semaphore(%dma_start3A_252 : memref<!tpu.dma_semaphore, #tpu.memory_space<semaphore_mem>>) {add = true}
    %scan3A = arith.constant 0 : i32
    %scan3A_253 = arith.constant 0 : i32
    %scan3A_254 = arith.constant 50 : i32
    %scan3A_255 = arith.addi %scan3A_253, %scan3A_254 : i32
    %scan3A_256 = arith.constant 1 : i32
    scf.for %scan3A_321 = %scan3A_253 to %scan3A_255 step %scan3A_256  : i32 {
      %ge3A = arith.constant 3 : i32
      %ge3A_322 = arith.cmpi sge, %scan3A_321, %ge3A : i32
      %convert_element_type3A_323 = arith.extui %ge3A_322 : i1 to i32
      %cond3A_324 = arith.constant 0 : i32
      %cond3A_325 = arith.cmpi ne, %convert_element_type3A_323, %cond3A_324 : i32
      scf.if %cond3A_325 {
        %sub3A = arith.constant 3 : i32
        %sub3A_394 = arith.subi %scan3A_321, %sub3A : i32
        %rem3A_395 = arith.constant 7 : i32
        %rem3A_396 = arith.remsi %sub3A_394, %rem3A_395 : i32
        %add3A_397 = arith.addi %mul3A_2, %sub3A_394 : i32
        %mul3A_398 = arith.constant 128 : i32
        %mul3A_399 = arith.muli %add3A_397, %mul3A_398 : i32
        %dma_wait3A_400 = arith.constant 0 : i32
        %dma_wait3A_401 = arith.constant 0 : i32
        %dma_wait3A_402 = tpu.memref_slice %arg8[%rem3A_396, %dma_wait3A_400, %dma_wait3A_401] : memref<7x128x128xf32, #tpu.memory_space<vmem>> -> memref<1x128x128xf32, #tpu.memory_space<vmem>>
        %dma_wait3A_403 = tpu.memref_squeeze %dma_wait3A_402 : memref<1x128x128xf32, #tpu.memory_space<vmem>> -> memref<128x128xf32, #tpu.memory_space<vmem>>
        %dma_wait3A_404 = arith.constant 0 : i32
        %dma_wait3A_405 = tpu.memref_slice %arg5[%mul3A_399, %dma_wait3A_404] : memref<204800x128xf32, #tpu.memory_space<hbm>> -> memref<128x128xf32, #tpu.memory_space<hbm>>
        %dma_wait3A_406 = tpu.memref_slice %arg12[%rem3A_396] : memref<7x!tpu.dma_semaphore, #tpu.memory_space<semaphore_mem>> -> memref<1x!tpu.dma_semaphore, #tpu.memory_space<semaphore_mem>>
        %dma_wait3A_407 = tpu.memref_squeeze %dma_wait3A_406 : memref<1x!tpu.dma_semaphore, #tpu.memory_space<semaphore_mem>> -> memref<!tpu.dma_semaphore, #tpu.memory_space<semaphore_mem>>
        %dma_wait3A_408 = arith.constant 0 : i32
        %dma_wait3A_409 = tpu.memref_slice %arg5[%mul3A_399, %dma_wait3A_408] : memref<204800x128xf32, #tpu.memory_space<hbm>> -> memref<128x128xf32, #tpu.memory_space<hbm>>
        %dma_wait3A_410 = arith.constant 0 : i32
        %dma_wait3A_411 = arith.constant 0 : i32
        %dma_wait3A_412 = tpu.memref_slice %arg8[%rem3A_396, %dma_wait3A_410, %dma_wait3A_411] : memref<7x128x128xf32, #tpu.memory_space<vmem>> -> memref<1x128x128xf32, #tpu.memory_space<vmem>>
        %dma_wait3A_413 = tpu.memref_squeeze %dma_wait3A_412 : memref<1x128x128xf32, #tpu.memory_space<vmem>> -> memref<128x128xf32, #tpu.memory_space<vmem>>
        tpu.wait_dma2 semaphore(%dma_wait3A_407 : memref<!tpu.dma_semaphore, #tpu.memory_space<semaphore_mem>>) src(%dma_wait3A_413 : memref<128x128xf32, #tpu.memory_space<vmem>>) dst(%dma_wait3A_409 : memref<128x128xf32, #tpu.memory_space<hbm>>)
      } else {
      }
      %add3A_326 = arith.constant 4 : i32
      %add3A_327 = arith.addi %scan3A_321, %add3A_326 : i32
      %lt3A = arith.constant 50 : i32
      %lt3A_328 = arith.cmpi slt, %add3A_327, %lt3A : i32
      %convert_element_type3A_329 = arith.extui %lt3A_328 : i1 to i32
      %cond3A_330 = arith.constant 0 : i32
      %cond3A_331 = arith.cmpi ne, %convert_element_type3A_329, %cond3A_330 : i32
      scf.if %cond3A_331 {
        %add3A_394 = arith.constant 4 : i32
        %add3A_395 = arith.addi %scan3A_321, %add3A_394 : i32
        %rem3A_396 = arith.constant 7 : i32
        %rem3A_397 = arith.remsi %add3A_395, %rem3A_396 : i32
        %mul3A_398 = arith.constant 128 : i32
        %mul3A_399 = arith.muli %add3A_395, %mul3A_398 : i32
        %rem3A_400 = arith.constant 200 : i32
        %rem3A_401 = arith.remsi %mul3A_399, %rem3A_400 : i32
        %multiple_of3A_402 = tpu.assume_multiple %rem3A_401, 8 : i32
        %dma_start3A_403 = arith.constant 0 : i32
        %dma_start3A_404 = arith.constant 0 : i32
        %dma_start3A_405 = tpu.memref_slice %arg8[%rem3A_397, %dma_start3A_403, %dma_start3A_404] : memref<7x128x128xf32, #tpu.memory_space<vmem>> -> memref<1x128x128xf32, #tpu.memory_space<vmem>>
        %dma_start3A_406 = tpu.memref_squeeze %dma_start3A_405 : memref<1x128x128xf32, #tpu.memory_space<vmem>> -> memref<128x128xf32, #tpu.memory_space<vmem>>
        %dma_start3A_407 = arith.constant 0 : i32
        %dma_start3A_408 = tpu.memref_slice %arg7[%multiple_of3A_402, %dma_start3A_407] : memref<328x128xf32, #tpu.memory_space<vmem_shared>> -> memref<128x128xf32, #tpu.memory_space<vmem_shared>>
        %dma_start3A_409 = tpu.memref_slice %arg10[%rem3A_397] : memref<7x!tpu.dma_semaphore, #tpu.memory_space<semaphore_mem>> -> memref<1x!tpu.dma_semaphore, #tpu.memory_space<semaphore_mem>>
        %dma_start3A_410 = tpu.memref_squeeze %dma_start3A_409 : memref<1x!tpu.dma_semaphore, #tpu.memory_space<semaphore_mem>> -> memref<!tpu.dma_semaphore, #tpu.memory_space<semaphore_mem>>
        %dma_start3A_411 = arith.constant 0 : i32
        %dma_start3A_412 = arith.constant 0 : i32
        %dma_start3A_413 = tpu.memref_slice %arg8[%rem3A_397, %dma_start3A_411, %dma_start3A_412] : memref<7x128x128xf32, #tpu.memory_space<vmem>> -> memref<1x128x128xf32, #tpu.memory_space<vmem>>
        %dma_start3A_414 = tpu.memref_squeeze %dma_start3A_413 : memref<1x128x128xf32, #tpu.memory_space<vmem>> -> memref<128x128xf32, #tpu.memory_space<vmem>>
        %dma_start3A_415 = arith.constant 0 : i32
        %dma_start3A_416 = tpu.memref_slice %arg7[%multiple_of3A_402, %dma_start3A_415] : memref<328x128xf32, #tpu.memory_space<vmem_shared>> -> memref<128x128xf32, #tpu.memory_space<vmem_shared>>
        tpu.enqueue_dma source(%dma_start3A_416 : memref<128x128xf32, #tpu.memory_space<vmem_shared>>) target(%dma_start3A_414 : memref<128x128xf32, #tpu.memory_space<vmem>>) target_semaphore(%dma_start3A_410 : memref<!tpu.dma_semaphore, #tpu.memory_space<semaphore_mem>>)
      } else {
      }
      %add3A_332 = arith.constant 3 : i32
      %add3A_333 = arith.addi %scan3A_321, %add3A_332 : i32
      %lt3A_334 = arith.constant 50 : i32
      %lt3A_335 = arith.cmpi slt, %add3A_333, %lt3A_334 : i32
      %convert_element_type3A_336 = arith.extui %lt3A_335 : i1 to i32
      %cond3A_337 = arith.constant 0 : i32
      %cond3A_338 = arith.cmpi ne, %convert_element_type3A_336, %cond3A_337 : i32
      scf.if %cond3A_338 {
        %add3A_394 = arith.constant 3 : i32
        %add3A_395 = arith.addi %scan3A_321, %add3A_394 : i32
        %rem3A_396 = arith.constant 7 : i32
        %rem3A_397 = arith.remsi %add3A_395, %rem3A_396 : i32
        %mul3A_398 = arith.constant 128 : i32
        %mul3A_399 = arith.muli %add3A_395, %mul3A_398 : i32
        %rem3A_400 = arith.constant 200 : i32
        %rem3A_401 = arith.remsi %mul3A_399, %rem3A_400 : i32
        %multiple_of3A_402 = tpu.assume_multiple %rem3A_401, 8 : i32
        %dma_wait3A_403 = arith.constant 0 : i32
        %dma_wait3A_404 = arith.constant 0 : i32
        %dma_wait3A_405 = tpu.memref_slice %arg8[%rem3A_397, %dma_wait3A_403, %dma_wait3A_404] : memref<7x128x128xf32, #tpu.memory_space<vmem>> -> memref<1x128x128xf32, #tpu.memory_space<vmem>>
        %dma_wait3A_406 = tpu.memref_squeeze %dma_wait3A_405 : memref<1x128x128xf32, #tpu.memory_space<vmem>> -> memref<128x128xf32, #tpu.memory_space<vmem>>
        %dma_wait3A_407 = arith.constant 0 : i32
        %dma_wait3A_408 = tpu.memref_slice %arg7[%multiple_of3A_402, %dma_wait3A_407] : memref<328x128xf32, #tpu.memory_space<vmem_shared>> -> memref<128x128xf32, #tpu.memory_space<vmem_shared>>
        %dma_wait3A_409 = tpu.memref_slice %arg10[%rem3A_397] : memref<7x!tpu.dma_semaphore, #tpu.memory_space<semaphore_mem>> -> memref<1x!tpu.dma_semaphore, #tpu.memory_space<semaphore_mem>>
        %dma_wait3A_410 = tpu.memref_squeeze %dma_wait3A_409 : memref<1x!tpu.dma_semaphore, #tpu.memory_space<semaphore_mem>> -> memref<!tpu.dma_semaphore, #tpu.memory_space<semaphore_mem>>
        %dma_wait3A_411 = arith.constant 0 : i32
        %dma_wait3A_412 = arith.constant 0 : i32
        %dma_wait3A_413 = tpu.memref_slice %arg8[%rem3A_397, %dma_wait3A_411, %dma_wait3A_412] : memref<7x128x128xf32, #tpu.memory_space<vmem>> -> memref<1x128x128xf32, #tpu.memory_space<vmem>>
        %dma_wait3A_414 = tpu.memref_squeeze %dma_wait3A_413 : memref<1x128x128xf32, #tpu.memory_space<vmem>> -> memref<128x128xf32, #tpu.memory_space<vmem>>
        %dma_wait3A_415 = arith.constant 0 : i32
        %dma_wait3A_416 = tpu.memref_slice %arg7[%multiple_of3A_402, %dma_wait3A_415] : memref<328x128xf32, #tpu.memory_space<vmem_shared>> -> memref<128x128xf32, #tpu.memory_space<vmem_shared>>
        tpu.wait_dma2 semaphore(%dma_wait3A_410 : memref<!tpu.dma_semaphore, #tpu.memory_space<semaphore_mem>>) src(%dma_wait3A_416 : memref<128x128xf32, #tpu.memory_space<vmem_shared>>) dst(%dma_wait3A_414 : memref<128x128xf32, #tpu.memory_space<vmem>>)
        %add3A_417 = arith.constant 3 : i32
        %add3A_418 = arith.addi %scan3A_321, %add3A_417 : i32
        %rem3A_419 = arith.constant 7 : i32
        %rem3A_420 = arith.remsi %add3A_418, %rem3A_419 : i32
        %mul3A_421 = arith.constant 128 : i32
        %mul3A_422 = arith.muli %add3A_418, %mul3A_421 : i32
        %add3A_423 = arith.constant 0 : i32
        %add3A_424 = arith.addi %mul3A_422, %add3A_423 : i32
        %rem3A_425 = arith.constant 7 : i32
        %rem3A_426 = arith.remsi %add3A_418, %rem3A_425 : i32
        %dma_start3A_427 = arith.constant 0 : i32
        %dma_start3A_428 = arith.constant 0 : i32
        %dma_start3A_429 = arith.constant 0 : i32
        %dma_start3A_430 = tpu.memref_slice %arg8[%rem3A_426, %dma_start3A_428, %dma_start3A_429] : memref<7x128x128xf32, #tpu.memory_space<vmem>> -> memref<1x64x128xf32, #tpu.memory_space<vmem>>
        %dma_start3A_431 = tpu.memref_squeeze %dma_start3A_430 : memref<1x64x128xf32, #tpu.memory_space<vmem>> -> memref<64x128xf32, #tpu.memory_space<vmem>>
        %dma_start3A_432 = tpu.memref_slice %arg6[%add3A_424] : memref<6400xi32, #tpu.memory_space<vmem>> -> memref<64xi32, #tpu.memory_space<vmem>>
        %dma_start3A_433 = arith.constant 0 : i32
        %dma_start3A_434 = arith.constant 0 : i32
        %dma_start3A_435 = tpu.memref_slice %arg3[%dma_start3A_433, %dma_start3A_434] : memref<100000x128xf32, #tpu.memory_space<hbm>> -> memref<100000x128xf32, #tpu.memory_space<hbm>>
        %dma_start3A_436 = tpu.memref_slice %arg11[%rem3A_420, %dma_start3A_427] : memref<7x2x!tpu.dma_semaphore, #tpu.memory_space<semaphore_mem>> -> memref<1x1x!tpu.dma_semaphore, #tpu.memory_space<semaphore_mem>>
        %dma_start3A_437 = tpu.memref_squeeze %dma_start3A_436 : memref<1x1x!tpu.dma_semaphore, #tpu.memory_space<semaphore_mem>> -> memref<!tpu.dma_semaphore, #tpu.memory_space<semaphore_mem>>
        tpu.enqueue_indirect_dma source(%dma_start3A_435 : memref<100000x128xf32, #tpu.memory_space<hbm>>) target(%dma_start3A_431 : memref<64x128xf32, #tpu.memory_space<vmem>>) offsets(%dma_start3A_432 : memref<64xi32, #tpu.memory_space<vmem>>) semaphore(%dma_start3A_437 : memref<!tpu.dma_semaphore, #tpu.memory_space<semaphore_mem>>) {add = true}
        %mul3A_438 = arith.constant 128 : i32
        %mul3A_439 = arith.muli %add3A_418, %mul3A_438 : i32
        %add3A_440 = arith.constant 64 : i32
        %add3A_441 = arith.addi %mul3A_439, %add3A_440 : i32
        %rem3A_442 = arith.constant 7 : i32
        %rem3A_443 = arith.remsi %add3A_418, %rem3A_442 : i32
        %dma_start3A_444 = arith.constant 1 : i32
        %dma_start3A_445 = arith.constant 64 : i32
        %dma_start3A_446 = arith.constant 0 : i32
        %dma_start3A_447 = tpu.memref_slice %arg8[%rem3A_443, %dma_start3A_445, %dma_start3A_446] : memref<7x128x128xf32, #tpu.memory_space<vmem>> -> memref<1x64x128xf32, #tpu.memory_space<vmem>>
        %dma_start3A_448 = tpu.memref_squeeze %dma_start3A_447 : memref<1x64x128xf32, #tpu.memory_space<vmem>> -> memref<64x128xf32, #tpu.memory_space<vmem>>
        %dma_start3A_449 = tpu.memref_slice %arg6[%add3A_441] : memref<6400xi32, #tpu.memory_space<vmem>> -> memref<64xi32, #tpu.memory_space<vmem>>
        %dma_start3A_450 = arith.constant 0 : i32
        %dma_start3A_451 = arith.constant 0 : i32
        %dma_start3A_452 = tpu.memref_slice %arg3[%dma_start3A_450, %dma_start3A_451] : memref<100000x128xf32, #tpu.memory_space<hbm>> -> memref<100000x128xf32, #tpu.memory_space<hbm>>
        %dma_start3A_453 = tpu.memref_slice %arg11[%rem3A_420, %dma_start3A_444] : memref<7x2x!tpu.dma_semaphore, #tpu.memory_space<semaphore_mem>> -> memref<1x1x!tpu.dma_semaphore, #tpu.memory_space<semaphore_mem>>
        %dma_start3A_454 = tpu.memref_squeeze %dma_start3A_453 : memref<1x1x!tpu.dma_semaphore, #tpu.memory_space<semaphore_mem>> -> memref<!tpu.dma_semaphore, #tpu.memory_space<semaphore_mem>>
        tpu.enqueue_indirect_dma source(%dma_start3A_452 : memref<100000x128xf32, #tpu.memory_space<hbm>>) target(%dma_start3A_448 : memref<64x128xf32, #tpu.memory_space<vmem>>) offsets(%dma_start3A_449 : memref<64xi32, #tpu.memory_space<vmem>>) semaphore(%dma_start3A_454 : memref<!tpu.dma_semaphore, #tpu.memory_space<semaphore_mem>>) {add = true}
      } else {
      }
      %rem3A_339 = arith.constant 7 : i32
      %rem3A_340 = arith.remsi %scan3A_321, %rem3A_339 : i32
      %mul3A_341 = arith.constant 128 : i32
      %mul3A_342 = arith.muli %scan3A_321, %mul3A_341 : i32
      %add3A_343 = arith.constant 0 : i32
      %add3A_344 = arith.addi %mul3A_342, %add3A_343 : i32
      %rem3A_345 = arith.constant 7 : i32
      %rem3A_346 = arith.remsi %scan3A_321, %rem3A_345 : i32
      %dma_wait3A_347 = arith.constant 0 : i32
      %dma_wait3A_348 = arith.constant 0 : i32
      %dma_wait3A_349 = arith.constant 0 : i32
      %dma_wait3A_350 = tpu.memref_slice %arg8[%rem3A_346, %dma_wait3A_348, %dma_wait3A_349] : memref<7x128x128xf32, #tpu.memory_space<vmem>> -> memref<1x64x128xf32, #tpu.memory_space<vmem>>
      %dma_wait3A_351 = tpu.memref_squeeze %dma_wait3A_350 : memref<1x64x128xf32, #tpu.memory_space<vmem>> -> memref<64x128xf32, #tpu.memory_space<vmem>>
      %dma_wait3A_352 = tpu.memref_slice %arg6[%add3A_344] : memref<6400xi32, #tpu.memory_space<vmem>> -> memref<64xi32, #tpu.memory_space<vmem>>
      %dma_wait3A_353 = arith.constant 0 : i32
      %dma_wait3A_354 = arith.constant 0 : i32
      %dma_wait3A_355 = tpu.memref_slice %arg3[%dma_wait3A_353, %dma_wait3A_354] : memref<100000x128xf32, #tpu.memory_space<hbm>> -> memref<100000x128xf32, #tpu.memory_space<hbm>>
      %dma_wait3A_356 = tpu.memref_slice %arg11[%rem3A_340, %dma_wait3A_347] : memref<7x2x!tpu.dma_semaphore, #tpu.memory_space<semaphore_mem>> -> memref<1x1x!tpu.dma_semaphore, #tpu.memory_space<semaphore_mem>>
      %dma_wait3A_357 = tpu.memref_squeeze %dma_wait3A_356 : memref<1x1x!tpu.dma_semaphore, #tpu.memory_space<semaphore_mem>> -> memref<!tpu.dma_semaphore, #tpu.memory_space<semaphore_mem>>
      tpu.wait_indirect_dma semaphore(%dma_wait3A_357 : memref<!tpu.dma_semaphore, #tpu.memory_space<semaphore_mem>>) src(%dma_wait3A_355 : memref<100000x128xf32, #tpu.memory_space<hbm>>) dst(%dma_wait3A_351 : memref<64x128xf32, #tpu.memory_space<vmem>>)
      %mul3A_358 = arith.constant 128 : i32
      %mul3A_359 = arith.muli %scan3A_321, %mul3A_358 : i32
      %add3A_360 = arith.constant 64 : i32
      %add3A_361 = arith.addi %mul3A_359, %add3A_360 : i32
      %rem3A_362 = arith.constant 7 : i32
      %rem3A_363 = arith.remsi %scan3A_321, %rem3A_362 : i32
      %dma_wait3A_364 = arith.constant 1 : i32
      %dma_wait3A_365 = arith.constant 64 : i32
      %dma_wait3A_366 = arith.constant 0 : i32
      %dma_wait3A_367 = tpu.memref_slice %arg8[%rem3A_363, %dma_wait3A_365, %dma_wait3A_366] : memref<7x128x128xf32, #tpu.memory_space<vmem>> -> memref<1x64x128xf32, #tpu.memory_space<vmem>>
      %dma_wait3A_368 = tpu.memref_squeeze %dma_wait3A_367 : memref<1x64x128xf32, #tpu.memory_space<vmem>> -> memref<64x128xf32, #tpu.memory_space<vmem>>
      %dma_wait3A_369 = tpu.memref_slice %arg6[%add3A_361] : memref<6400xi32, #tpu.memory_space<vmem>> -> memref<64xi32, #tpu.memory_space<vmem>>
      %dma_wait3A_370 = arith.constant 0 : i32
      %dma_wait3A_371 = arith.constant 0 : i32
      %dma_wait3A_372 = tpu.memref_slice %arg3[%dma_wait3A_370, %dma_wait3A_371] : memref<100000x128xf32, #tpu.memory_space<hbm>> -> memref<100000x128xf32, #tpu.memory_space<hbm>>
      %dma_wait3A_373 = tpu.memref_slice %arg11[%rem3A_340, %dma_wait3A_364] : memref<7x2x!tpu.dma_semaphore, #tpu.memory_space<semaphore_mem>> -> memref<1x1x!tpu.dma_semaphore, #tpu.memory_space<semaphore_mem>>
      %dma_wait3A_374 = tpu.memref_squeeze %dma_wait3A_373 : memref<1x1x!tpu.dma_semaphore, #tpu.memory_space<semaphore_mem>> -> memref<!tpu.dma_semaphore, #tpu.memory_space<semaphore_mem>>
      tpu.wait_indirect_dma semaphore(%dma_wait3A_374 : memref<!tpu.dma_semaphore, #tpu.memory_space<semaphore_mem>>) src(%dma_wait3A_372 : memref<100000x128xf32, #tpu.memory_space<hbm>>) dst(%dma_wait3A_368 : memref<64x128xf32, #tpu.memory_space<vmem>>)
      %rem3A_375 = arith.constant 7 : i32
      %rem3A_376 = arith.remsi %scan3A_321, %rem3A_375 : i32
      %add3A_377 = arith.addi %mul3A_2, %scan3A_321 : i32
      %mul3A_378 = arith.constant 128 : i32
      %mul3A_379 = arith.muli %add3A_377, %mul3A_378 : i32
      %dma_start3A_380 = arith.constant 0 : i32
      %dma_start3A_381 = arith.constant 0 : i32
      %dma_start3A_382 = tpu.memref_slice %arg8[%rem3A_376, %dma_start3A_380, %dma_start3A_381] : memref<7x128x128xf32, #tpu.memory_space<vmem>> -> memref<1x128x128xf32, #tpu.memory_space<vmem>>
      %dma_start3A_383 = tpu.memref_squeeze %dma_start3A_382 : memref<1x128x128xf32, #tpu.memory_space<vmem>> -> memref<128x128xf32, #tpu.memory_space<vmem>>
      %dma_start3A_384 = arith.constant 0 : i32
      %dma_start3A_385 = tpu.memref_slice %arg5[%mul3A_379, %dma_start3A_384] : memref<204800x128xf32, #tpu.memory_space<hbm>> -> memref<128x128xf32, #tpu.memory_space<hbm>>
      %dma_start3A_386 = tpu.memref_slice %arg12[%rem3A_376] : memref<7x!tpu.dma_semaphore, #tpu.memory_space<semaphore_mem>> -> memref<1x!tpu.dma_semaphore, #tpu.memory_space<semaphore_mem>>
      %dma_start3A_387 = tpu.memref_squeeze %dma_start3A_386 : memref<1x!tpu.dma_semaphore, #tpu.memory_space<semaphore_mem>> -> memref<!tpu.dma_semaphore, #tpu.memory_space<semaphore_mem>>
      %dma_start3A_388 = arith.constant 0 : i32
      %dma_start3A_389 = tpu.memref_slice %arg5[%mul3A_379, %dma_start3A_388] : memref<204800x128xf32, #tpu.memory_space<hbm>> -> memref<128x128xf32, #tpu.memory_space<hbm>>
      %dma_start3A_390 = arith.constant 0 : i32
      %dma_start3A_391 = arith.constant 0 : i32
      %dma_start3A_392 = tpu.memref_slice %arg8[%rem3A_376, %dma_start3A_390, %dma_start3A_391] : memref<7x128x128xf32, #tpu.memory_space<vmem>> -> memref<1x128x128xf32, #tpu.memory_space<vmem>>
      %dma_start3A_393 = tpu.memref_squeeze %dma_start3A_392 : memref<1x128x128xf32, #tpu.memory_space<vmem>> -> memref<128x128xf32, #tpu.memory_space<vmem>>
      tpu.enqueue_dma source(%dma_start3A_393 : memref<128x128xf32, #tpu.memory_space<vmem>>) target(%dma_start3A_389 : memref<128x128xf32, #tpu.memory_space<hbm>>) target_semaphore(%dma_start3A_387 : memref<!tpu.dma_semaphore, #tpu.memory_space<semaphore_mem>>)
    }
    %scan3A_257 = arith.constant 50 : i32
    %rem3A_258 = arith.constant 47 : i32
    %rem3A_259 = arith.constant 7 : i32
    %rem3A_260 = arith.remsi %rem3A_258, %rem3A_259 : i32
    %add3A_261 = arith.constant 47 : i32
    %add3A_262 = arith.addi %mul3A_2, %add3A_261 : i32
    %mul3A_263 = arith.constant 128 : i32
    %mul3A_264 = arith.muli %add3A_262, %mul3A_263 : i32
    %dma_wait3A_265 = arith.constant 0 : i32
    %dma_wait3A_266 = arith.constant 0 : i32
    %dma_wait3A_267 = tpu.memref_slice %arg8[%rem3A_260, %dma_wait3A_265, %dma_wait3A_266] : memref<7x128x128xf32, #tpu.memory_space<vmem>> -> memref<1x128x128xf32, #tpu.memory_space<vmem>>
    %dma_wait3A_268 = tpu.memref_squeeze %dma_wait3A_267 : memref<1x128x128xf32, #tpu.memory_space<vmem>> -> memref<128x128xf32, #tpu.memory_space<vmem>>
    %dma_wait3A_269 = arith.constant 0 : i32
    %dma_wait3A_270 = tpu.memref_slice %arg5[%mul3A_264, %dma_wait3A_269] : memref<204800x128xf32, #tpu.memory_space<hbm>> -> memref<128x128xf32, #tpu.memory_space<hbm>>
    %dma_wait3A_271 = tpu.memref_slice %arg12[%rem3A_260] : memref<7x!tpu.dma_semaphore, #tpu.memory_space<semaphore_mem>> -> memref<1x!tpu.dma_semaphore, #tpu.memory_space<semaphore_mem>>
    %dma_wait3A_272 = tpu.memref_squeeze %dma_wait3A_271 : memref<1x!tpu.dma_semaphore, #tpu.memory_space<semaphore_mem>> -> memref<!tpu.dma_semaphore, #tpu.memory_space<semaphore_mem>>
    %dma_wait3A_273 = arith.constant 0 : i32
    %dma_wait3A_274 = tpu.memref_slice %arg5[%mul3A_264, %dma_wait3A_273] : memref<204800x128xf32, #tpu.memory_space<hbm>> -> memref<128x128xf32, #tpu.memory_space<hbm>>
    %dma_wait3A_275 = arith.constant 0 : i32
    %dma_wait3A_276 = arith.constant 0 : i32
    %dma_wait3A_277 = tpu.memref_slice %arg8[%rem3A_260, %dma_wait3A_275, %dma_wait3A_276] : memref<7x128x128xf32, #tpu.memory_space<vmem>> -> memref<1x128x128xf32, #tpu.memory_space<vmem>>
    %dma_wait3A_278 = tpu.memref_squeeze %dma_wait3A_277 : memref<1x128x128xf32, #tpu.memory_space<vmem>> -> memref<128x128xf32, #tpu.memory_space<vmem>>
    tpu.wait_dma2 semaphore(%dma_wait3A_272 : memref<!tpu.dma_semaphore, #tpu.memory_space<semaphore_mem>>) src(%dma_wait3A_278 : memref<128x128xf32, #tpu.memory_space<vmem>>) dst(%dma_wait3A_274 : memref<128x128xf32, #tpu.memory_space<hbm>>)
    %rem3A_279 = arith.constant 48 : i32
    %rem3A_280 = arith.constant 7 : i32
    %rem3A_281 = arith.remsi %rem3A_279, %rem3A_280 : i32
    %add3A_282 = arith.constant 48 : i32
    %add3A_283 = arith.addi %mul3A_2, %add3A_282 : i32
    %mul3A_284 = arith.constant 128 : i32
    %mul3A_285 = arith.muli %add3A_283, %mul3A_284 : i32
    %dma_wait3A_286 = arith.constant 0 : i32
    %dma_wait3A_287 = arith.constant 0 : i32
    %dma_wait3A_288 = tpu.memref_slice %arg8[%rem3A_281, %dma_wait3A_286, %dma_wait3A_287] : memref<7x128x128xf32, #tpu.memory_space<vmem>> -> memref<1x128x128xf32, #tpu.memory_space<vmem>>
    %dma_wait3A_289 = tpu.memref_squeeze %dma_wait3A_288 : memref<1x128x128xf32, #tpu.memory_space<vmem>> -> memref<128x128xf32, #tpu.memory_space<vmem>>
    %dma_wait3A_290 = arith.constant 0 : i32
    %dma_wait3A_291 = tpu.memref_slice %arg5[%mul3A_285, %dma_wait3A_290] : memref<204800x128xf32, #tpu.memory_space<hbm>> -> memref<128x128xf32, #tpu.memory_space<hbm>>
    %dma_wait3A_292 = tpu.memref_slice %arg12[%rem3A_281] : memref<7x!tpu.dma_semaphore, #tpu.memory_space<semaphore_mem>> -> memref<1x!tpu.dma_semaphore, #tpu.memory_space<semaphore_mem>>
    %dma_wait3A_293 = tpu.memref_squeeze %dma_wait3A_292 : memref<1x!tpu.dma_semaphore, #tpu.memory_space<semaphore_mem>> -> memref<!tpu.dma_semaphore, #tpu.memory_space<semaphore_mem>>
    %dma_wait3A_294 = arith.constant 0 : i32
    %dma_wait3A_295 = tpu.memref_slice %arg5[%mul3A_285, %dma_wait3A_294] : memref<204800x128xf32, #tpu.memory_space<hbm>> -> memref<128x128xf32, #tpu.memory_space<hbm>>
    %dma_wait3A_296 = arith.constant 0 : i32
    %dma_wait3A_297 = arith.constant 0 : i32
    %dma_wait3A_298 = tpu.memref_slice %arg8[%rem3A_281, %dma_wait3A_296, %dma_wait3A_297] : memref<7x128x128xf32, #tpu.memory_space<vmem>> -> memref<1x128x128xf32, #tpu.memory_space<vmem>>
    %dma_wait3A_299 = tpu.memref_squeeze %dma_wait3A_298 : memref<1x128x128xf32, #tpu.memory_space<vmem>> -> memref<128x128xf32, #tpu.memory_space<vmem>>
    tpu.wait_dma2 semaphore(%dma_wait3A_293 : memref<!tpu.dma_semaphore, #tpu.memory_space<semaphore_mem>>) src(%dma_wait3A_299 : memref<128x128xf32, #tpu.memory_space<vmem>>) dst(%dma_wait3A_295 : memref<128x128xf32, #tpu.memory_space<hbm>>)
    %rem3A_300 = arith.constant 49 : i32
    %rem3A_301 = arith.constant 7 : i32
    %rem3A_302 = arith.remsi %rem3A_300, %rem3A_301 : i32
    %add3A_303 = arith.constant 49 : i32
    %add3A_304 = arith.addi %mul3A_2, %add3A_303 : i32
    %mul3A_305 = arith.constant 128 : i32
    %mul3A_306 = arith.muli %add3A_304, %mul3A_305 : i32
    %dma_wait3A_307 = arith.constant 0 : i32
    %dma_wait3A_308 = arith.constant 0 : i32
    %dma_wait3A_309 = tpu.memref_slice %arg8[%rem3A_302, %dma_wait3A_307, %dma_wait3A_308] : memref<7x128x128xf32, #tpu.memory_space<vmem>> -> memref<1x128x128xf32, #tpu.memory_space<vmem>>
    %dma_wait3A_310 = tpu.memref_squeeze %dma_wait3A_309 : memref<1x128x128xf32, #tpu.memory_space<vmem>> -> memref<128x128xf32, #tpu.memory_space<vmem>>
    %dma_wait3A_311 = arith.constant 0 : i32
    %dma_wait3A_312 = tpu.memref_slice %arg5[%mul3A_306, %dma_wait3A_311] : memref<204800x128xf32, #tpu.memory_space<hbm>> -> memref<128x128xf32, #tpu.memory_space<hbm>>
    %dma_wait3A_313 = tpu.memref_slice %arg12[%rem3A_302] : memref<7x!tpu.dma_semaphore, #tpu.memory_space<semaphore_mem>> -> memref<1x!tpu.dma_semaphore, #tpu.memory_space<semaphore_mem>>
    %dma_wait3A_314 = tpu.memref_squeeze %dma_wait3A_313 : memref<1x!tpu.dma_semaphore, #tpu.memory_space<semaphore_mem>> -> memref<!tpu.dma_semaphore, #tpu.memory_space<semaphore_mem>>
    %dma_wait3A_315 = arith.constant 0 : i32
    %dma_wait3A_316 = tpu.memref_slice %arg5[%mul3A_306, %dma_wait3A_315] : memref<204800x128xf32, #tpu.memory_space<hbm>> -> memref<128x128xf32, #tpu.memory_space<hbm>>
    %dma_wait3A_317 = arith.constant 0 : i32
    %dma_wait3A_318 = arith.constant 0 : i32
    %dma_wait3A_319 = tpu.memref_slice %arg8[%rem3A_302, %dma_wait3A_317, %dma_wait3A_318] : memref<7x128x128xf32, #tpu.memory_space<vmem>> -> memref<1x128x128xf32, #tpu.memory_space<vmem>>
    %dma_wait3A_320 = tpu.memref_squeeze %dma_wait3A_319 : memref<1x128x128xf32, #tpu.memory_space<vmem>> -> memref<128x128xf32, #tpu.memory_space<vmem>>
    tpu.wait_dma2 semaphore(%dma_wait3A_314 : memref<!tpu.dma_semaphore, #tpu.memory_space<semaphore_mem>>) src(%dma_wait3A_320 : memref<128x128xf32, #tpu.memory_space<vmem>>) dst(%dma_wait3A_316 : memref<128x128xf32, #tpu.memory_space<hbm>>)
    return
  }
}

</mosaic_0001>

<sc_bundles>
// kernel: kernel.3.cloned.1.call-start
scs
__scs_entry_jumppad:
0x0: {  	(pc) =	sbr.rel $0x88, $3  }
0x1: {  	(tag) =	ssettag $0x0;
	lr =	simm.s32 $0x1  }
0x2: {  	[smem:$0x3F9E] =	sst lr;
	_ =	strace $0xD0000000  }
0x3: {  	_ = 	snop  }
0x4: {  	_ = 	snop  }
0x5: {  	_ = 	snop  }
0x6: {  	_ = 	snop  }
0x7: {  	_ = 	snop  }
__scs_overlays_trampoline_lowered:
0x8: {  	[smem:$0x3FAD] =	sst s0  }
0x9: {  	[smem:$0x3FAE] =	sst s1  }
0xa: {  	[smem:$0x3FAF] =	sst s2  }
0xb: {  	[smem:$0x3FB0] =	sst s3  }
0xc: {  	[smem:$0x3FB1] =	sst s4  }
0xd: {  	[smem:$0x3FB2] =	sst s5  }
0xe: {  	[smem:$0x3FB3] =	sst s6  }
0xf: {  	[smem:$0x3FB4] =	sst s7  }
0x10: {  	[smem:$0x3FB5] =	sst s8  }
0x11: {  	[smem:$0x3FB6] =	sst s9;
	s0 =	simm.s32 @!p0 $0x0  }
0x12: {  	s1 =	sld [smem:$0x3F9C];
	s0 =	simm.s32 @p0 $0x1  }
0x13: {  	[smem:$0x3FB7] =	sst s0;
	s0 =	simm.s32 @!p1 $0x0  }
0x14: {  	s2 =	sld [smem:$0x3F9B];
	s0 =	simm.s32 @p1 $0x1  }
0x15: {  	[smem:$0x3FB8] =	sst s0;
	s0 =	simm.s32 @!p2 $0x0  }
0x16: {  	s3 =	sld [smem:$0x3FDB];
	s0 =	simm.s32 @p2 $0x1  }
0x17: {  	s4 =	simm.s32 $0x1BF5;
	[smem:$0x3FBA] =	sst s0  }
0x18: {  	s0 =	sld [smem:$0x3F9D];
	_ =	swait.ge [sflag:s4], $0x0  }
0x19: {  	s7 =	sld [smem:$0x3F9E]  }
0x1a: {  	s8 =	sadd.s32 $0xFFFFE003, lr  }
0x1b: {  	s9 =	sadd.s32 $0xFFFFFEF7, lr;
	s5 =	simm.s32 $0xFFFFFFFF;
	p2 =	slt.u32 s8, $0xFFFFF086  }
0x1c: {  	p1 =	slt.u32 s9, $0xF7A;
	s5 =	simm.s32 @!p2 $0x0  }
0x1d: {  	s5 =	simm.s32 @p1 $0x1;
	p0 =	seq.s32 s7, s2  }
0x1e: {  	s7 =	smul.u32 @!p0 $0xF7A, s2;
	p2 =	seq.s32 @!p0 s5, $0x0  }
0x1f: {  	s9 =	smul.u32 $0xF7A, s1;
	s8 =	simm.s32 @!p0 $0x1BF5;
	p2 =	por !p2, p0  }
0x20: {  	[sflag:s8] =	ssyncset.s32 @!p0 $0xFFFFF086;
	s6 =	sadd.s32 @!p0 s3, s7;
	s7 =	simm.s32 @!p0 $0x108  }
0x21: {  	s3 =	sadd.s32 s3, s9;
	s6 =	sadd.s32 @!p0 $0x88, s6;
	s7 =	simm.s32 @p2 $0x1082  }
0x22: {  	[simem:s7], [sflag:s8] =	dma.local @!p0 [hbm:s6], $0xF7A  }
0x23: {  	s9 =	sor.u32 $0xD0000000, s2;
	s6 =	simm.s32 $0x108;
	_ =	swait.ge @!p0 [sflag:s8], $0x0  }
0x24: {  	s3 =	sadd.s32 $0x88, s3;
	s6 =	simm.s32 @!p1 $0x1082;
	[sflag:s4] =	ssyncset.s32 $0xFFFFF086  }
0x25: {  	[simem:s6], [sflag:s4] =	dma.local [hbm:s3], $0xF7A  }
0x26: {  	[smem:$0x3F9E] =	sst s1;
	(tag) =	ssettag s2;
	_ =	strace s9  }
0x27: {  	s1 =	sld [smem:$0x3FAE]  }
0x28: {  	s2 =	sld [smem:$0x3FAF]  }
0x29: {  	s4 =	sld [smem:$0x3FB1]  }
0x2a: {  	p0 =	seq.s32 s5, $0x0;
	s5 =	sld [smem:$0x3FB2]  }
0x2b: {  	s6 =	sld [smem:$0x3FB3]  }
0x2c: {  	s7 =	sld [smem:$0x3FB4]  }
0x2d: {  	s3 =	simm.s32 $0x108;
	s8 =	sld [smem:$0x3FB5]  }
0x2e: {  	s3 =	simm.s32 @!p0 $0x1082;
	s9 =	sld [smem:$0x3FB6]  }
0x2f: {  	lr =	sadd.s32 s0, s3;
	s0 =	sld [smem:$0x3FAD]  }
0x30: {  	s3 =	sld [smem:$0x3FB0]  }
0x31: {  	[smem:$0x3FB9] =	sst s10  }
0x32: {  	s10 =	sld [smem:$0x3FB7];
	_ =	sdelay $0x3  }
0x33: {  	p0 =	seq.s32 s10, $0x1;
	s10 =	sld [smem:$0x3FB9];
	_ =	sdelay $0x3  }
0x34: {  	[smem:$0x3FB9] =	sst s10  }
0x35: {  	s10 =	sld [smem:$0x3FB8];
	_ =	sdelay $0x3  }
0x36: {  	p1 =	seq.s32 s10, $0x1;
	s10 =	sld [smem:$0x3FB9];
	_ =	sdelay $0x3  }
0x37: {  	[smem:$0x3FB9] =	sst s10  }
0x38: {  	s10 =	sld [smem:$0x3FBA]  }
0x39: {  	_ = 	snop;
	(pc) =	sbr.ind lr, $3  }
0x3a: {  	_ = 	snop  }
0x3b: {  	_ = 	snop  }
0x3c: {  	p2 =	seq.s32 s10, $0x1;
	s10 =	sld [smem:$0x3FB9]  }
0x3d: {  	_ =	shalt  }
0x3e: {  	_ =	shalt  }
0x3f: {  	_ =	shalt  }
0x40: {  	_ =	shalt  }
0x41: {  	_ =	shalt  }
0x42: {  	_ =	shalt  }
0x43: {  	_ =	shalt  }
0x44: {  	_ =	shalt  }
0x45: {  	_ =	shalt  }
0x46: {  	_ =	shalt  }
0x47: {  	_ =	shalt  }
0x48: {  	_ =	shalt  }
0x49: {  	_ =	shalt  }
0x4a: {  	_ =	shalt  }
0x4b: {  	_ =	shalt  }
0x4c: {  	_ =	shalt  }
0x4d: {  	_ =	shalt  }
0x4e: {  	_ =	shalt  }
0x4f: {  	_ =	shalt  }
0x50: {  	_ =	shalt  }
0x51: {  	_ =	shalt  }
0x52: {  	_ =	shalt  }
0x53: {  	_ =	shalt  }
0x54: {  	_ =	shalt  }
0x55: {  	_ =	shalt  }
0x56: {  	_ =	shalt  }
0x57: {  	_ =	shalt  }
0x58: {  	_ =	shalt  }
0x59: {  	_ =	shalt  }
0x5a: {  	_ =	shalt  }
0x5b: {  	_ =	shalt  }
0x5c: {  	_ =	shalt  }
0x5d: {  	_ =	shalt  }
0x5e: {  	_ =	shalt  }
0x5f: {  	_ =	shalt  }
0x60: {  	_ =	shalt  }
0x61: {  	_ =	shalt  }
0x62: {  	_ =	shalt  }
0x63: {  	_ =	shalt  }
0x64: {  	_ =	shalt  }
0x65: {  	_ =	shalt  }
0x66: {  	_ =	shalt  }
0x67: {  	_ =	shalt  }
0x68: {  	_ =	shalt  }
0x69: {  	_ =	shalt  }
0x6a: {  	_ =	shalt  }
0x6b: {  	_ =	shalt  }
0x6c: {  	_ =	shalt  }
0x6d: {  	_ =	shalt  }
0x6e: {  	_ =	shalt  }
0x6f: {  	_ =	shalt  }
0x70: {  	_ =	shalt  }
0x71: {  	_ =	shalt  }
0x72: {  	_ =	shalt  }
0x73: {  	_ =	shalt  }
0x74: {  	_ =	shalt  }
0x75: {  	_ =	shalt  }
0x76: {  	_ =	shalt  }
0x77: {  	_ =	shalt  }
0x78: {  	_ =	shalt  }
0x79: {  	_ =	shalt  }
0x7a: {  	_ =	shalt  }
0x7b: {  	_ =	shalt  }
0x7c: {  	_ =	shalt  }
0x7d: {  	_ =	shalt  }
0x7e: {  	_ =	shalt  }
0x7f: {  	_ =	shalt  }
0x80: {  	_ =	shalt  }
0x81: {  	_ =	shalt  }
0x82: {  	_ =	shalt  }
0x83: {  	_ =	shalt  }
0x84: {  	_ =	shalt  }
0x85: {  	_ =	shalt  }
0x86: {  	_ =	shalt  }
0x87: {  	_ =	shalt  }
.Lfunc_end0:
.L_simem_size_0:
called_computation_lowered:
.L_overlay_start_0:
0x88: {  	s2 =	sld [smem:$0x3FD9]  }
0x89: {  	s3 =	sld [smem:$0x3FFE];
	_ =	sdelay $0x1  }
0x8a: {  	s1 =	srdreg.scid  }
0x8b: {  	s0 =	sand.u32 $0x1, s1  }
0x8c: {  	s17 =	sshll.u32 s0, $0xA;
	s2 =	sadd.s32 s3, s2  }
0x8d: {  	s2 =	sadd.s32 s2, s17  }
0x8e: {  	[smem:$0x3FC5] =	sst s2  }
0x8f: {  	_ = 	snop  }
0x90: {  	s2 =	sld [smem:$0x3FC8]  }
0x91: {  	s18 =	sld [smem:$0x3FC7]  }
0x92: {  	s4 =	sld [smem:$0x3FD0];
	(tm) =	ssettm $0x1  }
0x93: {  	s5 =	sld [smem:$0x3FFB];
	_ =	sdelay $0x3  }
0x94: {  	_ =	strace s5  }
0x95: {  	s5 =	sld [smem:$0x3FFC];
	_ =	sdelay $0x3  }
0x96: {  	_ =	strace s5  }
0x97: {  	s5 =	sld [smem:$0x3FFD];
	_ =	sdelay $0x3  }
0x98: {  	_ =	strace s5  }
0x99: {  	_ =	strace $0x8FFFFFFF  }
0x9a: {  	s19 =	sld [smem:$0x3FDB];
	_ =	sdelay $0x1  }
0x9b: {  	s6 =	simm.s32 $_scs_section_size  }
0x9c: {  	s7 =	simm.s32 $_size__tile_overlayer_lowered;
	s8 =	simm.s32 $_tile_overlayer_lowered  }
0x9d: {  	s22 =	simm.s32 $0x1BFF;
	s21 =	sshll.u32 s8, $0x1;
	s5 =	sadd.s32 s6, s19  }
0x9e: {  	s9 =	simm.s32 $0x0;
	s20 =	sshll.u32 s7, $0x1;
	s7 =	sadd.s32 s21, s5  }
0x9f: {  	[timem:s9], [sflag:s22] =	dma.local [hbm:s7], s20  }
0xa0: {  	_ =	swait.ge [sflag:s22], s20  }
0xa1: {  	s6 =	ssub.s32 $0x0, s20;
	[sflag:s22] =	ssyncset.done $0x0  }
0xa2: {  	[sflag:s22] =	ssyncadd.s32 s6;
	_ =	sdelay $0x1  }
0xa3: {  	s23 =	simm.s32 $0x1B8B  }
0xa4: {  	_ =	swait.ge [sflag:s23], $0x1  }
0xa5: {  	[sflag:s23] =	ssyncset.done $0x0  }
0xa6: {  	s25 =	simm.s32 $0x1B8E;
	s24 =	sld [smem:$0x3FFE];
	[sflag:s23] =	ssyncadd.s32 $0xFFFFFFFF  }
0xa7: {  	s26 =	simm.s32 $execute0_lowered;
	[smem:$0x3FD2] =	sst s25  }
0xa8: {  	s7 =	sshll.u32 s26, $0x1;
	_ =	strace $0x80000046;
	[dreg:$0x1] =	wrdreg $0xFFFFFFFF  }
0xa9: {  	s28 =	simm.s32 $_size_execute0_lowered;
	s5 =	sadd.s32 s5, s7;
	[dreg:$0x0] =	wrdreg $0x0  }
0xaa: {  	s7 =	sshll.u32 s28, $0x1;
	[dreg:$0x2] =	wrdreg s5  }
0xab: {  	[dreg:$0x3] =	wrdreg s7  }
0xac: {  	[dreg:$0x4] =	wrdreg $0xC0  }
0xad: {  	_ =	task [dreg:s9], $0x5FFFF  }
0xae: {  	[dreg:$0x1] =	wrdreg $0xFFFFFFFF  }
0xaf: {  	[dreg:$0x0] =	wrdreg $0x60  }
0xb0: {  	[dreg:$0x2] =	wrdreg s24  }
0xb1: {  	[dreg:$0x3] =	wrdreg s2  }
0xb2: {  	[dreg:$0x4] =	wrdreg s18  }
0xb3: {  	[dreg:$0x5] =	wrdreg s4  }
0xb4: {  	[dreg:$0x6] =	wrdreg $0x19000  }
0xb5: {  	[dreg:$0x7] =	wrdreg $0x9  }
0xb6: {  	_ =	task.clear_ibuf [dreg:s9], $0x8FFFF;
	_ =	strace $0x90000046  }
0xb7: {  	s29 =	simm.s32 $0x9;
	_ =	strace $0x80000048  }
0xb8: {  	_ =	swait.ge [sflag:s29], $0x1  }
0xb9: {  	[sflag:s29] =	ssyncadd.s32 $0xFFFFFFFF  }
0xba: {  	_ =	strace $0x90000048  }
0xbb: {  	_ =	sfence  }
0xbc: {  	s30 =	sld [smem:$0x0];
	_ =	sdelay $0x2  }
0xbd: {  	s31 =	sshll.u32 s1, $0xD;
	s1 =	sshrl.u32 s1, $0x2  }
0xbe: {  	s3 =	sand.u32 $0x4000, s31;
	s1 =	sadd.s32 s1, s30  }
0xbf: {  	s0 =	sor.u32 s3, s0;
	s1 =	sshll.u32 s1, $0x11  }
0xc0: {  	s0 =	sor.u32 s1, s0  }
0xc1: {  	s0 =	sadd.s32 $0x8F2B, s0  }
0xc2: {  	[sflag:s0] =	ssyncadd.remote.s32 $0x1  }
0xc3: {  	_ =	sfence.sel $0xFFFF  }
0xc4: {  	[dreg:$0x0] =	wrdreg $0xFFFFFFFF;
	(pc) =	sbr.abs _section_cstart, $3  }
0xc5: {  	[dreg:$0x1] =	wrdreg $0xFFFFFFFF  }
0xc6: {  	_ =	task.clear_ibuf [dreg:s9], $0x2FFFF;
	_ =	strace $0x9FFFFFFF  }
0xc7: {  	(tm) =	ssettm $0x7FFFFFFF  }
tec
execute0_lowered:
.L_overlay_start_1:
0x0: {  	(tag) =	ssettag $0x1  }
0x1: {  	s2 =	rddreg [dreg:$0x0]  }
0x2: {  	s0 =	rddreg [dreg:$0x1]  }
0x3: {  	s9 =	rddreg [dreg:$0x3];
	s4 =	srdreg.scid  }
0x4: {  	s10 =	stileid.u32;
	s3 =	rddreg [dreg:$0x4];
	s14 =	simm.s32 $0x6340  }
0x5: {  	s15 =	simm.s32 $0xA340;
	s17 =	simm.s32 $0x1;
	s18 =	simm.s32 $0x2  }
0x6: {  	s19 =	simm.s32 $0x40;
	s21 =	simm.s32 $0x3;
	s25 =	simm.s32 $0x4  }
0x7: {  	s30 =	simm.s32 $0x1C;
	s31 =	simm.s32 $0x1D;
	s16 =	simm.s32 $0x0  }
0x8: {  	s8 =	sand.u32 $0x1, s4;
	s29 =	sshll.u32 s10, $0x1;
	s4 =	simm.s32 $0x0  }
0x9: {  	s12 =	smul.u32 $0x32000, s10;
	p0 =	sne.s32 s10, $0x0;
	s5 =	sor.u32 s8, s29  }
0xa: {  	s6 =	ssub.s32 $0x2, s8;
	[smem:$0x7FF] =	sst s4;
	s13 =	smul.u32 $0x19000, s8  }
0xb: {  	s8 =	sadd.s32 $0x5C00, s3;
	s5 =	smul.u32 $0x320, s5;
	s7 =	sshrl.u32 s6, $0x1  }
.Ltmp0:
0xc: {  	_ =	strace $0x80000047;
	s12 =	sadd.s32 s12, s9;
	(pc) =	sbr.rel .LBB2_1-.Ltmp0, $4  }
0xd: {  	s11 =	ssub.s32 s6, s7;
	s6 =	sadd.s32 $0x4000, s3;
	s7 =	sadd.s32 $0x1C00, s3  }
0xe: {  	s22 =	sadd.s32 s13, s12;
	s13 =	simm.s32 $0x2340;
	s2 =	sadd.s32 s5, s2  }
0xf: {  	s9 =	smax.u32 s11, $0x1;
	s5 =	sadd.s32 $0x400, s2;
	s2 =	sadd.s32 $0x6400, s3  }
0x10: {  	s11 =	sshrl.u32 @!p0 s3, $0x3;
	s12 =	sshrl.u32 @!p0 s2, $0x3;
	s2 =	simm.s32 $0x17  }
.LBB2_7:
0x11: {  	_ =	swait.ge [sflag:s30], $0x4000  }
0x12: {  	[sflag:s30] =	ssyncset.done $0x0  }
0x13: {  	s16 =	sadd.s32 $0x1, s16;
	[sflag:s30] =	ssyncadd.s32 $0xFFFFC000  }
0x14: {  	p1 =	sne.s32 s16, s9;
	_ =	swait.ge [sflag:s31], $0x4000  }
.Ltmp1:
0x15: {  	[sflag:s31] =	ssyncset.done $0x0;
	(pc) =	sbr.rel @!p1 .LBB2_8-.Ltmp1, $4  }
0x16: {  	[sflag:s31] =	ssyncadd.s32 $0xFFFFC000  }
0x17: {  	_ =	swait.ge [sflag:s2], $0x4000  }
0x18: {  	[sflag:s2] =	ssyncset.done $0x0  }
0x19: {  	[sflag:s2] =	ssyncadd.s32 $0xFFFFC000  }
.LBB2_1:
0x1a: {  	[tilespmem:s4], [sflag:$0x1] =	stream.linear.gather [hbm4b:s5+s4], $0x1900, $0x38;
	[tilespmem:$0x1E340] =	vst v63  }
0x1b: {  	s10 =	simm.s32 @!p0 $0x1C1E;
	s1 =	rddreg [dreg:$0x2];
	s20 =	simm.s32 @!p0 $0x1E  }
0x1c: {  	[spmem:s11], [sflag:s10] =	dma.local @!p0 [hbm:s1], $0xC80  }
0x1d: {  	_ =	swait.ge @!p0 [sflag:s20], $0xC80  }
0x1e: {  	[sflag:s20] =	ssyncset.done @!p0 $0x0  }
0x1f: {  	[sflag:s20] =	ssyncadd.s32 @!p0 $0xFFFFF380  }
0x20: {  	[spmem:s12], [sflag:s10] =	dma.local @!p0 [hbm:s1], $0x800  }
0x21: {  	_ =	swait.ge @!p0 [sflag:s20], $0x800  }
0x22: {  	[sflag:s20] =	ssyncset.done @!p0 $0x0  }
0x23: {  	[sflag:s20] =	ssyncadd.s32 @!p0 $0xFFFFF800  }
0x24: {  	[bflag:$0x0] =	sbarrier.arrive $0xFFFF  }
0x25: {  	[tilespmem:s13], [sflag:$0x2] =	stream.linear.gather [spmem:s3], $0x4000, $0x38;
	[tilespmem:$0x1E340] =	vst v63  }
0x26: {  	_ = 	snop  }
0x27: {  	[tilespmem:s14], [sflag:$0x3] =	stream.linear.gather [spmem:s6], $0x4000, $0x38;
	[tilespmem:$0x1E340] =	vst v63  }
0x28: {  	_ = 	snop  }
0x29: {  	[tilespmem:s15], [sflag:$0x4] =	stream.linear.gather [spmem:s7], $0x4000, $0x38;
	[tilespmem:$0x1E340] =	vst v63  }
0x2a: {  	s29 =	simm.s32 $0xE340  }
0x2b: {  	[tilespmem:s29], [sflag:$0x5] =	stream.linear.gather [spmem:s8], $0x4000, $0x38;
	[tilespmem:$0x1E340] =	vst v63  }
0x2c: {  	_ =	swait.ge [sflag:s17], $0x1900  }
0x2d: {  	[sflag:s17] =	ssyncset.done $0x0  }
0x2e: {  	[sflag:s17] =	ssyncadd.s32 $0xFFFFE700  }
0x2f: {  	_ =	swait.ge [sflag:s18], $0x4000  }
0x30: {  	[sflag:s18] =	ssyncset.done $0x0  }
0x31: {  	[sflag:s18] =	ssyncadd.s32 $0xFFFFC000  }
0x32: {  	[tilespmem:s13], [sflag:$0x9] =	stream.indirect.gather.add.f32 [hbm:s0], $0x80, s4, s19, $0xb8;
	[tilespmem:$0x1E340] =	vst v63  }
0x33: {  	s10 =	simm.s32 $0x4340  }
0x34: {  	[tilespmem:s10], [sflag:$0xA] =	stream.indirect.gather.add.f32 [hbm:s0], $0x80, s19, s19, $0xb8;
	[tilespmem:$0x1E340] =	vst v63  }
0x35: {  	_ =	swait.ge [sflag:s21], $0x4000  }
0x36: {  	[sflag:s21] =	ssyncset.done $0x0  }
0x37: {  	s20 =	simm.s32 $0x80;
	[sflag:s21] =	ssyncadd.s32 $0xFFFFC000  }
0x38: {  	[tilespmem:s14], [sflag:$0xB] =	stream.indirect.gather.add.f32 [hbm:s0], $0x80, s20, s19, $0xb8;
	[tilespmem:$0x1E340] =	vst v63  }
0x39: {  	s23 =	simm.s32 $0xC0;
	s24 =	simm.s32 $0x8340  }
0x3a: {  	[tilespmem:s24], [sflag:$0xC] =	stream.indirect.gather.add.f32 [hbm:s0], $0x80, s23, s19, $0xb8;
	[tilespmem:$0x1E340] =	vst v63  }
0x3b: {  	_ =	swait.ge [sflag:s25], $0x4000  }
.Ltmp2:
0x3c: {  	s26 =	simm.s32 $0x100;
	[sflag:s25] =	ssyncset.done $0x0;
	(pc) =	sbr.rel .LBB2_2-.Ltmp2, $4  }
0x3d: {  	s28 =	simm.s32 $0x140;
	s29 =	simm.s32 $0xC340;
	[sflag:s25] =	ssyncadd.s32 $0xFFFFC000  }
0x3e: {  	[tilespmem:s15], [sflag:$0xD] =	stream.indirect.gather.add.f32 [hbm:s0], $0x80, s26, s19, $0xb8;
	[tilespmem:$0x1E340] =	vst v63  }
0x3f: {  	s10 =	smov.u32 s22;
	s20 =	simm.s32 $0x180;
	s23 =	simm.s32 $0x0  }
0x40: {  	[tilespmem:s29], [sflag:$0xE] =	stream.indirect.gather.add.f32 [hbm:s0], $0x80, s28, s19, $0xb8;
	[tilespmem:$0x1E340] =	vst v63  }
.LBB2_3:
0x41: {  	s24 =	sadd.s32 $0x4, s23  }
0x42: {  	s26 =	smul.u32 $0x25, s24;
	_ =	sdelay $0x1  }
0x43: {  	s26 =	sshrl.u32 s26, $0x8  }
0x44: {  	s28 =	ssub.s32 s24, s26  }
0x45: {  	s28 =	sand.u32 $0xFE, s28  }
0x46: {  	s29 =	sshll.u32 s24, $0x7;
	s28 =	sshrl.u32 s28, $0x1  }
0x47: {  	s1 =	sand.u32 $0xFF80, s29;
	s26 =	sadd.s32 s26, s28  }
0x48: {  	s28 =	smul.u32 $0x147B, s1;
	s26 =	sand.u32 $0xFC, s26  }
0x49: {  	s26 =	sshrl.u32 s26, $0x2  }
0x4a: {  	s28 =	sshrl.u32 s28, $0x14;
	s26 =	smul.u32 $0x7, s26  }
0x4b: {  	s28 =	smul.u32 $0xC8, s28;
	_ =	sdelay $0x1  }
0x4c: {  	s24 =	ssub.s32 s24, s26;
	s28 =	ssub.s32 s29, s28  }
0x4d: {  	s24 =	sand.u32 $0xFF, s24;
	s26 =	sand.u32 $0xFFF8, s28  }
0x4e: {  	s29 =	sshll.u32 s24, $0xE;
	s26 =	sshll.u32 s26, $0x7  }
0x4f: {  	s24 =	sadd.s32 $0x2, s24;
	s28 =	sor.u32 $0x2340, s29;
	s26 =	sadd.s32 s26, s3  }
0x50: {  	[tilespmem:s28], [sflag:s24] =	stream.linear.gather [spmem:s26], $0x4000, $0x38;
	[tilespmem:$0x1E340] =	vst v63  }
0x51: {  	s26 =	smov.u32 s23  }
.LBB2_5:
0x52: {  	s24 =	sadd.s32 $0x3, s23  }
0x53: {  	s28 =	smul.u32 $0x25, s24;
	_ =	sdelay $0x1  }
0x54: {  	s28 =	sshrl.u32 s28, $0x8  }
0x55: {  	s29 =	ssub.s32 s24, s28  }
0x56: {  	s29 =	sand.u32 $0xFE, s29  }
0x57: {  	s29 =	sshrl.u32 s29, $0x1  }
0x58: {  	s28 =	sadd.s32 s28, s29  }
0x59: {  	s28 =	sand.u32 $0xFC, s28  }
0x5a: {  	s28 =	sshrl.u32 s28, $0x2  }
0x5b: {  	s28 =	smul.u32 $0x7, s28;
	_ =	sdelay $0x1  }
0x5c: {  	s24 =	ssub.s32 s24, s28  }
0x5d: {  	s24 =	sand.u32 $0xFF, s24  }
0x5e: {  	s1 =	sadd.s32 $0x2, s24  }
0x5f: {  	_ =	swait.ge [sflag:s1], $0x4000  }
0x60: {  	s29 =	sshll.u32 s24, $0xE;
	s24 =	sshll.u32 s24, $0x1;
	[sflag:s1] =	ssyncset.done $0x0  }
0x61: {  	s28 =	sor.u32 $0x2340, s29;
	[sflag:s1] =	ssyncadd.s32 $0xFFFFC000;
	s1 =	sadd.s32 $0x9, s24  }
0x62: {  	[tilespmem:s28], [sflag:s1] =	stream.indirect.gather.add.f32 [hbm:s0], $0x80, s20, s19, $0xb8;
	[tilespmem:$0x1E340] =	vst v63  }
0x63: {  	s24 =	sadd.s32 $0xA, s24;
	s1 =	sadd.s32 $0x4340, s29;
	s29 =	sadd.s32 $0x40, s20  }
0x64: {  	[tilespmem:s1], [sflag:s24] =	stream.indirect.gather.add.f32 [hbm:s0], $0x80, s29, s19, $0xb8;
	[tilespmem:$0x1E340] =	vst v63  }
0x65: {  	s24 =	smov.u32 s26  }
.LBB2_6:
0x66: {  	s1 =	sand.u32 $0xFF, s24  }
0x67: {  	s1 =	smul.u32 $0x25, s1;
	_ =	sdelay $0x1  }
0x68: {  	s1 =	sshrl.u32 s1, $0x8  }
0x69: {  	s26 =	ssub.s32 s24, s1  }
0x6a: {  	s26 =	sand.u32 $0xFE, s26  }
0x6b: {  	s26 =	sshrl.u32 s26, $0x1  }
0x6c: {  	s1 =	sadd.s32 s1, s26  }
0x6d: {  	s1 =	sshrl.u32 s1, $0x2  }
0x6e: {  	s1 =	smul.u32 $0x7, s1;
	_ =	sdelay $0x1  }
0x6f: {  	s1 =	ssub.s32 s24, s1  }
0x70: {  	s1 =	sand.u32 $0xFF, s1  }
0x71: {  	s28 =	sshll.u32 s1, $0x1  }
0x72: {  	s29 =	sadd.s32 $0x9, s28  }
0x73: {  	_ =	swait.ge [sflag:s29], $0x2000  }
0x74: {  	s23 =	sadd.s32 $0x1, s23;
	[sflag:s29] =	ssyncset.done $0x0  }
0x75: {  	p1 =	sne.s32 s23, $0x32;
	s24 =	sadd.s32 $0xA, s28;
	[sflag:s29] =	ssyncadd.s32 $0xFFFFE000  }
.Ltmp3:
0x76: {  	_ =	swait.ge [sflag:s24], $0x2000;
	(pc) =	sbr.rel @!p1 .LBB2_7-.Ltmp3, $4  }
0x77: {  	s28 =	sshll.u32 s1, $0xE;
	[sflag:s24] =	ssyncset.done $0x0  }
0x78: {  	s1 =	sadd.s32 $0x17, s1;
	s29 =	sor.u32 $0x2340, s28;
	[sflag:s24] =	ssyncadd.s32 $0xFFFFE000  }
0x79: {  	[hbm4b:s10+s4] =	stream.linear.scatter [tilespmem:s29], [sflag:s1], $0x4000, $0x38;
	[tilespmem:$0x1E340] =	vst v63  }
0x7a: {  	s20 =	sadd.s32 $0x80, s20;
	s10 =	sadd.s32 $0x800, s10  }
.LBB2_2:
0x7b: {  	p1 =	slt.u32 s23, $0x3  }
0x7c: {  	s24 =	sadd.s32 @!p1 $0xFFFFFFFD, s23  }
0x7d: {  	s26 =	sand.u32 @!p1 $0xFF, s24  }
0x7e: {  	s26 =	smul.u32 @!p1 $0x25, s26;
	_ =	sdelay $0x1  }
0x7f: {  	s26 =	sshrl.u32 @!p1 s26, $0x8  }
0x80: {  	s28 =	ssub.s32 @!p1 s24, s26  }
0x81: {  	s28 =	sand.u32 @!p1 $0xFE, s28  }
0x82: {  	s28 =	sshrl.u32 @!p1 s28, $0x1  }
0x83: {  	s26 =	sadd.s32 @!p1 s26, s28  }
0x84: {  	s26 =	sshrl.u32 @!p1 s26, $0x2  }
0x85: {  	s26 =	smul.u32 @!p1 $0x7, s26  }
0x86: {  	p2 =	sgt.u32 @!p1 s23, $0x2D  }
0x87: {  	p2 =	por p1, !p2;
	s24 =	ssub.s32 @!p1 s24, s26  }
.Ltmp4:
0x88: {  	s24 =	sand.u32 @!p1 $0xFF, s24;
	(pc) =	sbr.rel @p2 .LBB2_3-.Ltmp4, $4  }
0x89: {  	s24 =	sadd.s32 @!p1 $0x17, s24  }
0x8a: {  	_ =	swait.ge @!p1 [sflag:s24], $0x4000  }
0x8b: {  	[sflag:s24] =	ssyncset.done @!p1 $0x0  }
0x8c: {  	[sflag:s24] =	ssyncadd.s32 @!p1 $0xFFFFC000  }
0x8d: {  	p1 =	sne.s32 s23, $0x2E  }
.Ltmp5:
0x8e: {  	_ = 	snop;
	(pc) =	sbr.rel @p1 .LBB2_6-.Ltmp5, $4  }
.Ltmp6:
0x8f: {  	_ = 	snop;
	(pc) =	sbr.rel @!p1 .LBB2_5-.Ltmp6, $4  }
0x90: {  	_ = 	snop  }
0x91: {  	_ = 	snop  }
0x92: {  	s26 =	simm.s32 $0x2E;
	s24 =	smov.u32 s23  }
0x93: {  	_ = 	snop  }
.LBB2_8:
0x94: {  	_ =	sfence.sel $0x180000  }
0x95: {  	[bflag:$0x0] =	sbarrier.arrive $0xFFFF  }
0x96: {  	_ =	strace $0x90000047  }
0x97: {  	[bflag:$0x2] =	sbarrier.arrive $0xFFFF  }
0x98: {  	s0 =	rddreg [dreg:$0x5]  }
0x99: {  	s0 =	sadd.s32 @!p0 $0x100000, s0  }
0x9a: {  	[sflag:s0] =	ssyncadd.tile.s32 @!p0 $0x1;
	_ =	shalt  }
.Lfunc_end2:
_tile_overlayer_lowered:
.L_overlay_start_2:
0x9b: {  	(tag) =	ssettag $0x2  }
0x9c: {  	s0 =	rddreg [dreg:$0x0];
	s2 =	stileid.u32  }
0x9d: {  	s1 =	rddreg [dreg:$0x1];
	p0 =	sne.s32 s2, $0x0  }
0x9e: {  	s3 =	rddreg [dreg:$0x2];
	[bflag:$0x3] =	sbarrier.arrive $0xFFFF;
	s2 =	simm.s32 @!p0 $0x1C1E  }
0x9f: {  	[timem:s3], [sflag:s2] =	dma.local @!p0 [hbm:s0], s1  }
0xa0: {  	s0 =	simm.s32 @!p0 $0x1E  }
0xa1: {  	_ =	swait.ge @!p0 [sflag:s0], s1  }
0xa2: {  	s1 =	ssub.s32 @!p0 $0x0, s1;
	[sflag:s0] =	ssyncset.done @!p0 $0x0  }
0xa3: {  	[sflag:s0] =	ssyncadd.s32 @!p0 s1  }
0xa4: {  	[bflag:$0x3] =	sbarrier.arrive $0xFFFF  }
0xa5: {  	_ =	shalt  }

</sc_bundles>
